<compile_context>
chip_gen: v7x
topology: tpu7x:2x2x1
jax: 0.10.2.dev20260603
libtpu: 0.0.44.dev20260713+nightly
codegen_flags: <defaults>
</compile_context>

<pallas_src>
import jax
import jax.numpy as jnp
import numpy as np
from jax import lax
from jax.experimental import pallas as pl
from jax.experimental.pallas import tpu as pltpu
from jax.experimental.pallas import tpu_sc as plsc

SIZE = 256
CAMERA_RANGE = 3.0
AGENT_RADIUS = 0.05
OBSTACLE_BASE_HEIGHT = 0.5
HALF_FOV = float(np.radians(90.0)) / 2.0
NOBJ = 159
NPAD = 164
NTILES = 32
ROWS_PER_TILE = SIZE // NTILES
LANES = 16


def _paint_body(obj_hbm, out_hbm, obj_v, rows_v):
    cid = lax.axis_index("c")
    sid = lax.axis_index("s")
    wid = sid * 2 + cid

    pltpu.sync_copy(obj_hbm, obj_v)

    ones = jnp.full((LANES,), 1.0, jnp.float32)
    for j in range(ROWS_PER_TILE):
        for sg in range(SIZE // LANES):
            rows_v[j, pl.ds(sg * LANES, LANES)] = ones

    iota = lax.convert_element_type(lax.iota(jnp.int32, LANES), jnp.float32)

    BAND_J = (2, 3, 4, 5)
    widf = lax.convert_element_type(wid, jnp.float32)
    dy2_j = [(widf + float(NTILES * j - 128)) * (widf + float(NTILES * j - 128))
             for j in BAND_J]
    mindy2 = jnp.minimum(jnp.minimum(dy2_j[0], dy2_j[1]),
                         jnp.minimum(dy2_j[2], dy2_j[3]))

    def paint_obj_row(j, dy2, px_o, dv_o, pr2_o, vlo, vhi):
        w2 = pr2_o - dy2

        @pl.when(w2 >= 0.0)
        def _row():
            def seg_body(vb, c2):
                base = vb * LANES
                cols = lax.convert_element_type(base, jnp.float32) + iota
                dx = cols - px_o
                m = dx * dx <= w2
                seg = rows_v[j, pl.ds(base, LANES)]
                rows_v[j, pl.ds(base, LANES)] = jnp.where(
                    m, jnp.minimum(seg, dv_o), seg)
                return c2

            lax.fori_loop(vlo, vhi + 1, seg_body, 0)

    def obj_body(o, carry):
        vec = obj_v[pl.ds(o * 4, LANES)]
        pr2_o = vec[2]

        @pl.when(pr2_o >= mindy2)
        def _obj():
            px_o = vec[0]
            pr_o = vec[1]
            dv_o = vec[3]
            clo = jnp.maximum(px_o - pr_o, 0.0)
            chi = jnp.minimum(px_o + pr_o, 255.0)
            vlo = lax.convert_element_type(clo, jnp.int32) >> 4
            vhi = lax.convert_element_type(chi, jnp.int32) >> 4
            for idx, j in enumerate(BAND_J):
                paint_obj_row(j, dy2_j[idx], px_o, dv_o, pr2_o, vlo, vhi)

        return carry

    lax.fori_loop(0, NOBJ, obj_body, 0)

    @pl.when(wid == 0)
    def _row192():
        def obj_body6(o, carry):
            vec = obj_v[pl.ds(o * 4, LANES)]
            pr2_o = vec[2]

            @pl.when(pr2_o >= 4096.0)
            def _obj():
                px_o = vec[0]
                pr_o = vec[1]
                dv_o = vec[3]
                clo = jnp.maximum(px_o - pr_o, 0.0)
                chi = jnp.minimum(px_o + pr_o, 255.0)
                vlo = lax.convert_element_type(clo, jnp.int32) >> 4
                vhi = lax.convert_element_type(chi, jnp.int32) >> 4
                paint_obj_row(6, 4096.0, px_o, dv_o, pr2_o, vlo, vhi)

            return carry

        lax.fori_loop(0, NOBJ, obj_body6, 0)

    for j in range(ROWS_PER_TILE):
        r = wid + NTILES * j
        pltpu.sync_copy(rows_v.at[j], out_hbm.at[0, r])


_paint = pl.kernel(
    _paint_body,
    out_type=jax.ShapeDtypeStruct((1, SIZE, SIZE), jnp.float32),
    mesh=plsc.VectorSubcoreMesh(core_axis_name="c", subcore_axis_name="s"),
    scratch_types=[
        pltpu.VMEM((4 * NPAD,), jnp.float32),
        pltpu.VMEM((ROWS_PER_TILE, SIZE), jnp.float32),
    ],
)


def _bf16_rne(x):
    u = jax.lax.bitcast_convert_type(x, jnp.uint32)
    lsb = (u >> 16) & jnp.uint32(1)
    u = (u + jnp.uint32(0x7FFF) + lsb) & jnp.uint32(0xFFFF0000)
    return jax.lax.bitcast_convert_type(u, jnp.float32)


def kernel(agent_pos, goal_pos, other_agents, obstacles):
    vd = goal_pos - agent_pos
    vd = vd / (jnp.linalg.norm(vd) + 1e-08)
    cos_t = vd[1]
    sin_t = vd[0]

    pos = jnp.concatenate([other_agents, obstacles[:, :2]], axis=0)
    radius = jnp.concatenate([
        jnp.full((other_agents.shape[0],), AGENT_RADIUS, jnp.float32),
        obstacles[:, 2],
    ])
    height = jnp.concatenate([
        jnp.full((other_agents.shape[0],), 0.2, jnp.float32),
        jnp.full((obstacles.shape[0],), OBSTACLE_BASE_HEIGHT, jnp.float32),
    ])

    rel0 = pos[:, 0] - agent_pos[0]
    rel1 = pos[:, 1] - agent_pos[1]
    bc = _bf16_rne(jnp.broadcast_to(cos_t, rel0.shape))
    bs = _bf16_rne(jnp.broadcast_to(sin_t, rel0.shape))
    bns = _bf16_rne(jnp.broadcast_to(-sin_t, rel0.shape))
    br0 = _bf16_rne(rel0)
    br1 = _bf16_rne(rel1)
    cam0 = bc * br0 + bs * br1
    cam1 = bns * br0 + bc * br1
    fdot = rel0 * (-sin_t) + rel1 * cos_t
    dist = jnp.sqrt(cam0 * cam0 + cam1 * cam1)
    angle_x = jnp.arctan2(cam0, cam1)
    visible = (fdot >= 0.0) & (dist <= CAMERA_RANGE) & (jnp.abs(angle_x) <= HALF_FOV)
    pixel_x = angle_x / HALF_FOV * 0.5
    px = jnp.floor((pixel_x + 0.5) * SIZE)
    pr = jnp.floor(radius / (dist + 1e-08) * SIZE * 0.5)
    pr = jnp.clip(pr, 1.0, float(SIZE // 4))
    dval = jnp.minimum(dist / CAMERA_RANGE, 1.0)
    dval = dval * (1.0 - height * 0.3)
    dval = jnp.maximum(dval, 0.0)

    obj = jnp.stack([
        jnp.where(visible, px, 0.0),
        jnp.where(visible, pr, 0.0),
        jnp.where(visible, pr * pr, -1.0),
        jnp.where(visible, dval, 0.0),
    ], axis=1)
    obj = jnp.pad(obj, ((0, NPAD - NOBJ), (0, 0)),
                  constant_values=-1.0)
    return _paint(obj.reshape(4 * NPAD))

# --- scband reference (transcript-rebuilt; emitter-appended) ---
"""Pipeline reference for scband-simple-depth-renderer-22565758173373 (READ-ONLY COPY).

The authoritative reference and input builder live on the scoring server;
editing this copy changes nothing except your own understanding.
"""

import jax, jax.numpy as jnp
import numpy as np

IMAGE_SIZE = 256
CAMERA_FOV = 90.0
CAMERA_RANGE = 3.0
AGENT_RADIUS = 0.05
OBSTACLE_BASE_HEIGHT = 0.5
FOV_RAD = float(np.radians(CAMERA_FOV))


def setup_inputs(seed: int = 0) -> dict:
    key = jax.random.key(seed)
    k1, k2, k3, k4 = jax.random.split(key, 4)
    agent_pos = jax.random.normal(k1, (2,), dtype=jnp.float32)
    goal_pos = jax.random.normal(k2, (2,), dtype=jnp.float32)
    other_agents = jax.random.normal(k3, (127, 2), dtype=jnp.float32)
    obstacles = jax.random.uniform(k4, (32, 3), dtype=jnp.float32)
    return {"agent_pos": agent_pos, "goal_pos": goal_pos, "other_agents": other_agents, "obstacles": obstacles}


def _render_forward(agent_pos, goal_pos, other_agents, obstacles):
    size = IMAGE_SIZE
    half_fov = FOV_RAD / 2.0
    vd = goal_pos - agent_pos
    vd = vd / (jnp.linalg.norm(vd) + 1e-08)
    cos_t = vd[1]
    sin_t = vd[0]
    R = jnp.stack([jnp.stack([cos_t, sin_t]), jnp.stack([-sin_t, cos_t])])
    rows = jnp.arange(size, dtype=jnp.float32)[:, None]
    cols = jnp.arange(size, dtype=jnp.float32)[None, :]
    depth = jnp.ones((size, size), dtype=jnp.float32)

    def render_one(depth, obj_pos, radius, height):
        rel = obj_pos - agent_pos
        fdot = jnp.dot(rel, R[1])
        cam = R @ rel
        dist = jnp.linalg.norm(cam)
        angle_x = jnp.arctan2(cam[0], cam[1])
        visible = (fdot >= 0.0) & (dist <= CAMERA_RANGE) & (jnp.abs(angle_x) <= half_fov)
        pixel_x = angle_x / half_fov * 0.5
        px = jnp.floor((pixel_x + 0.5) * size)
        pr = jnp.floor(radius / (dist + 1e-08) * size * 0.5)
        pr = jnp.clip(pr, 1.0, float(size // 4))
        dval = jnp.minimum(dist / CAMERA_RANGE, 1.0)
        dval = dval * (1.0 - height * 0.3)
        dval = jnp.maximum(dval, 0.0)
        dy = rows - float(size // 2)
        dx = cols - px
        disk = (dx * dx + dy * dy) <= (pr * pr)
        mask = disk & visible
        return jnp.where(mask, jnp.minimum(depth, dval), depth)

    for i in range(other_agents.shape[0]):
        depth = render_one(depth, other_agents[i], AGENT_RADIUS, 0.2)
    for i in range(obstacles.shape[0]):
        depth = render_one(depth, obstacles[i, :2], obstacles[i, 2], OBSTACLE_BASE_HEIGHT)
    return depth[None, :, :]


def reference(agent_pos, goal_pos, other_agents, obstacles):
    return _render_forward(agent_pos, goal_pos, other_agents, obstacles)

if __name__ == "__main__":
    import jax
    _d = setup_inputs()
    print(jax.jit(kernel)(*tuple(_d.values())))

</pallas_src>

<mosaic_0001>
#map = affine_map<(d0, d1) -> (0)>
#map1 = affine_map<(d0, d1) -> (0, 0, 0)>
module attributes {stable_mosaic.version = 14 : i64} {
  func.func @_paint_body(%arg0: i32, %arg1: i32, %arg2: memref<656xf32, #tpu.memory_space<hbm>>, %arg3: memref<1x256x256xf32, #tpu.memory_space<hbm>>, %arg4: memref<656xf32, #tpu.memory_space<vmem>>, %arg5: memref<8x256xf32, #tpu.memory_space<vmem>>) attributes {dimension_semantics = [#tpu.dimension_semantics<core_parallel>, #tpu.dimension_semantics<subcore_parallel>], iteration_bounds = array<i64: 2, 16>, scalar_prefetch = 0 : i64, scratch_operands = 2 : i64, tpu.core_type = #tpu.core_type<sc_vector_subcore>, window_params = [{transform_indices = #map}, {transform_indices = #map1}]} {
    %mul3A = arith.constant 2 : i32
    %mul3A_0 = arith.muli %arg1, %mul3A : i32
    %add3A = arith.addi %mul3A_0, %arg0 : i32
    "tpu.region"() ({
      %run_scoped3A_831 = tpu.sem_alloc : memref<!tpu.dma_semaphore, #tpu.memory_space<semaphore_mem>>
      tpu.enqueue_dma source(%arg2 : memref<656xf32, #tpu.memory_space<hbm>>) target(%arg4 : memref<656xf32, #tpu.memory_space<vmem>>) target_semaphore(%run_scoped3A_831 : memref<!tpu.dma_semaphore, #tpu.memory_space<semaphore_mem>>)
      tpu.wait_dma2 semaphore(%run_scoped3A_831 : memref<!tpu.dma_semaphore, #tpu.memory_space<semaphore_mem>>) src(%arg2 : memref<656xf32, #tpu.memory_space<hbm>>) dst(%arg4 : memref<656xf32, #tpu.memory_space<vmem>>)
      tpu.yield
    }) : () -> ()
    %broadcast_in_dim3A = arith.constant 1.000000e+00 : f32
    %broadcast_in_dim3A_1 = vector.broadcast %broadcast_in_dim3A : f32 to vector<16xf32>
    %swap3A = arith.constant 0 : i32
    %swap3A_2 = arith.index_cast %swap3A : i32 to index
    %swap3A_3 = arith.constant 0 : index
    %swap3A_4 = tpu.vector_load %arg5[%swap3A_2, %swap3A_3] {strides = array<i32>} : memref<8x256xf32, #tpu.memory_space<vmem>>, vector<1x16xf32>,
    %swap3A_5 = vector.shape_cast %swap3A_4 : vector<1x16xf32> to vector<16xf32>
    %swap3A_6 = vector.shape_cast %broadcast_in_dim3A_1 : vector<16xf32> to vector<1x16xf32>
    tpu.vector_store %arg5[%swap3A_2, %swap3A_3], %swap3A_6 {strides = array<i32>} : memref<8x256xf32, #tpu.memory_space<vmem>>, vector<1x16xf32>,
    %swap3A_7 = arith.constant 0 : i32
    %swap3A_8 = arith.index_cast %swap3A_7 : i32 to index
    %swap3A_9 = arith.constant 16 : index
    %swap3A_10 = tpu.vector_load %arg5[%swap3A_8, %swap3A_9] {strides = array<i32>} : memref<8x256xf32, #tpu.memory_space<vmem>>, vector<1x16xf32>,
    %swap3A_11 = vector.shape_cast %swap3A_10 : vector<1x16xf32> to vector<16xf32>
    %swap3A_12 = vector.shape_cast %broadcast_in_dim3A_1 : vector<16xf32> to vector<1x16xf32>
    tpu.vector_store %arg5[%swap3A_8, %swap3A_9], %swap3A_12 {strides = array<i32>} : memref<8x256xf32, #tpu.memory_space<vmem>>, vector<1x16xf32>,
    %swap3A_13 = arith.constant 0 : i32
    %swap3A_14 = arith.index_cast %swap3A_13 : i32 to index
    %swap3A_15 = arith.constant 32 : index
    %swap3A_16 = tpu.vector_load %arg5[%swap3A_14, %swap3A_15] {strides = array<i32>} : memref<8x256xf32, #tpu.memory_space<vmem>>, vector<1x16xf32>,
    %swap3A_17 = vector.shape_cast %swap3A_16 : vector<1x16xf32> to vector<16xf32>
    %swap3A_18 = vector.shape_cast %broadcast_in_dim3A_1 : vector<16xf32> to vector<1x16xf32>
    tpu.vector_store %arg5[%swap3A_14, %swap3A_15], %swap3A_18 {strides = array<i32>} : memref<8x256xf32, #tpu.memory_space<vmem>>, vector<1x16xf32>,
    %swap3A_19 = arith.constant 0 : i32
    %swap3A_20 = arith.index_cast %swap3A_19 : i32 to index
    %swap3A_21 = arith.constant 48 : index
    %swap3A_22 = tpu.vector_load %arg5[%swap3A_20, %swap3A_21] {strides = array<i32>} : memref<8x256xf32, #tpu.memory_space<vmem>>, vector<1x16xf32>,
    %swap3A_23 = vector.shape_cast %swap3A_22 : vector<1x16xf32> to vector<16xf32>
    %swap3A_24 = vector.shape_cast %broadcast_in_dim3A_1 : vector<16xf32> to vector<1x16xf32>
    tpu.vector_store %arg5[%swap3A_20, %swap3A_21], %swap3A_24 {strides = array<i32>} : memref<8x256xf32, #tpu.memory_space<vmem>>, vector<1x16xf32>,
    %swap3A_25 = arith.constant 0 : i32
    %swap3A_26 = arith.index_cast %swap3A_25 : i32 to index
    %swap3A_27 = arith.constant 64 : index
    %swap3A_28 = tpu.vector_load %arg5[%swap3A_26, %swap3A_27] {strides = array<i32>} : memref<8x256xf32, #tpu.memory_space<vmem>>, vector<1x16xf32>,
    %swap3A_29 = vector.shape_cast %swap3A_28 : vector<1x16xf32> to vector<16xf32>
    %swap3A_30 = vector.shape_cast %broadcast_in_dim3A_1 : vector<16xf32> to vector<1x16xf32>
    tpu.vector_store %arg5[%swap3A_26, %swap3A_27], %swap3A_30 {strides = array<i32>} : memref<8x256xf32, #tpu.memory_space<vmem>>, vector<1x16xf32>,
    %swap3A_31 = arith.constant 0 : i32
    %swap3A_32 = arith.index_cast %swap3A_31 : i32 to index
    %swap3A_33 = arith.constant 80 : index
    %swap3A_34 = tpu.vector_load %arg5[%swap3A_32, %swap3A_33] {strides = array<i32>} : memref<8x256xf32, #tpu.memory_space<vmem>>, vector<1x16xf32>,
    %swap3A_35 = vector.shape_cast %swap3A_34 : vector<1x16xf32> to vector<16xf32>
    %swap3A_36 = vector.shape_cast %broadcast_in_dim3A_1 : vector<16xf32> to vector<1x16xf32>
    tpu.vector_store %arg5[%swap3A_32, %swap3A_33], %swap3A_36 {strides = array<i32>} : memref<8x256xf32, #tpu.memory_space<vmem>>, vector<1x16xf32>,
    %swap3A_37 = arith.constant 0 : i32
    %swap3A_38 = arith.index_cast %swap3A_37 : i32 to index
    %swap3A_39 = arith.constant 96 : index
    %swap3A_40 = tpu.vector_load %arg5[%swap3A_38, %swap3A_39] {strides = array<i32>} : memref<8x256xf32, #tpu.memory_space<vmem>>, vector<1x16xf32>,
    %swap3A_41 = vector.shape_cast %swap3A_40 : vector<1x16xf32> to vector<16xf32>
    %swap3A_42 = vector.shape_cast %broadcast_in_dim3A_1 : vector<16xf32> to vector<1x16xf32>
    tpu.vector_store %arg5[%swap3A_38, %swap3A_39], %swap3A_42 {strides = array<i32>} : memref<8x256xf32, #tpu.memory_space<vmem>>, vector<1x16xf32>,
    %swap3A_43 = arith.constant 0 : i32
    %swap3A_44 = arith.index_cast %swap3A_43 : i32 to index
    %swap3A_45 = arith.constant 112 : index
    %swap3A_46 = tpu.vector_load %arg5[%swap3A_44, %swap3A_45] {strides = array<i32>} : memref<8x256xf32, #tpu.memory_space<vmem>>, vector<1x16xf32>,
    %swap3A_47 = vector.shape_cast %swap3A_46 : vector<1x16xf32> to vector<16xf32>
    %swap3A_48 = vector.shape_cast %broadcast_in_dim3A_1 : vector<16xf32> to vector<1x16xf32>
    tpu.vector_store %arg5[%swap3A_44, %swap3A_45], %swap3A_48 {strides = array<i32>} : memref<8x256xf32, #tpu.memory_space<vmem>>, vector<1x16xf32>,
    %swap3A_49 = arith.constant 0 : i32
    %swap3A_50 = arith.index_cast %swap3A_49 : i32 to index
    %swap3A_51 = arith.constant 128 : index
    %swap3A_52 = tpu.vector_load %arg5[%swap3A_50, %swap3A_51] {strides = array<i32>} : memref<8x256xf32, #tpu.memory_space<vmem>>, vector<1x16xf32>,
    %swap3A_53 = vector.shape_cast %swap3A_52 : vector<1x16xf32> to vector<16xf32>
    %swap3A_54 = vector.shape_cast %broadcast_in_dim3A_1 : vector<16xf32> to vector<1x16xf32>
    tpu.vector_store %arg5[%swap3A_50, %swap3A_51], %swap3A_54 {strides = array<i32>} : memref<8x256xf32, #tpu.memory_space<vmem>>, vector<1x16xf32>,
    %swap3A_55 = arith.constant 0 : i32
    %swap3A_56 = arith.index_cast %swap3A_55 : i32 to index
    %swap3A_57 = arith.constant 144 : index
    %swap3A_58 = tpu.vector_load %arg5[%swap3A_56, %swap3A_57] {strides = array<i32>} : memref<8x256xf32, #tpu.memory_space<vmem>>, vector<1x16xf32>,
    %swap3A_59 = vector.shape_cast %swap3A_58 : vector<1x16xf32> to vector<16xf32>
    %swap3A_60 = vector.shape_cast %broadcast_in_dim3A_1 : vector<16xf32> to vector<1x16xf32>
    tpu.vector_store %arg5[%swap3A_56, %swap3A_57], %swap3A_60 {strides = array<i32>} : memref<8x256xf32, #tpu.memory_space<vmem>>, vector<1x16xf32>,
    %swap3A_61 = arith.constant 0 : i32
    %swap3A_62 = arith.index_cast %swap3A_61 : i32 to index
    %swap3A_63 = arith.constant 160 : index
    %swap3A_64 = tpu.vector_load %arg5[%swap3A_62, %swap3A_63] {strides = array<i32>} : memref<8x256xf32, #tpu.memory_space<vmem>>, vector<1x16xf32>,
    %swap3A_65 = vector.shape_cast %swap3A_64 : vector<1x16xf32> to vector<16xf32>
    %swap3A_66 = vector.shape_cast %broadcast_in_dim3A_1 : vector<16xf32> to vector<1x16xf32>
    tpu.vector_store %arg5[%swap3A_62, %swap3A_63], %swap3A_66 {strides = array<i32>} : memref<8x256xf32, #tpu.memory_space<vmem>>, vector<1x16xf32>,
    %swap3A_67 = arith.constant 0 : i32
    %swap3A_68 = arith.index_cast %swap3A_67 : i32 to index
    %swap3A_69 = arith.constant 176 : index
    %swap3A_70 = tpu.vector_load %arg5[%swap3A_68, %swap3A_69] {strides = array<i32>} : memref<8x256xf32, #tpu.memory_space<vmem>>, vector<1x16xf32>,
    %swap3A_71 = vector.shape_cast %swap3A_70 : vector<1x16xf32> to vector<16xf32>
    %swap3A_72 = vector.shape_cast %broadcast_in_dim3A_1 : vector<16xf32> to vector<1x16xf32>
    tpu.vector_store %arg5[%swap3A_68, %swap3A_69], %swap3A_72 {strides = array<i32>} : memref<8x256xf32, #tpu.memory_space<vmem>>, vector<1x16xf32>,
    %swap3A_73 = arith.constant 0 : i32
    %swap3A_74 = arith.index_cast %swap3A_73 : i32 to index
    %swap3A_75 = arith.constant 192 : index
    %swap3A_76 = tpu.vector_load %arg5[%swap3A_74, %swap3A_75] {strides = array<i32>} : memref<8x256xf32, #tpu.memory_space<vmem>>, vector<1x16xf32>,
    %swap3A_77 = vector.shape_cast %swap3A_76 : vector<1x16xf32> to vector<16xf32>
    %swap3A_78 = vector.shape_cast %broadcast_in_dim3A_1 : vector<16xf32> to vector<1x16xf32>
    tpu.vector_store %arg5[%swap3A_74, %swap3A_75], %swap3A_78 {strides = array<i32>} : memref<8x256xf32, #tpu.memory_space<vmem>>, vector<1x16xf32>,
    %swap3A_79 = arith.constant 0 : i32
    %swap3A_80 = arith.index_cast %swap3A_79 : i32 to index
    %swap3A_81 = arith.constant 208 : index
    %swap3A_82 = tpu.vector_load %arg5[%swap3A_80, %swap3A_81] {strides = array<i32>} : memref<8x256xf32, #tpu.memory_space<vmem>>, vector<1x16xf32>,
    %swap3A_83 = vector.shape_cast %swap3A_82 : vector<1x16xf32> to vector<16xf32>
    %swap3A_84 = vector.shape_cast %broadcast_in_dim3A_1 : vector<16xf32> to vector<1x16xf32>
    tpu.vector_store %arg5[%swap3A_80, %swap3A_81], %swap3A_84 {strides = array<i32>} : memref<8x256xf32, #tpu.memory_space<vmem>>, vector<1x16xf32>,
    %swap3A_85 = arith.constant 0 : i32
    %swap3A_86 = arith.index_cast %swap3A_85 : i32 to index
    %swap3A_87 = arith.constant 224 : index
    %swap3A_88 = tpu.vector_load %arg5[%swap3A_86, %swap3A_87] {strides = array<i32>} : memref<8x256xf32, #tpu.memory_space<vmem>>, vector<1x16xf32>,
    %swap3A_89 = vector.shape_cast %swap3A_88 : vector<1x16xf32> to vector<16xf32>
    %swap3A_90 = vector.shape_cast %broadcast_in_dim3A_1 : vector<16xf32> to vector<1x16xf32>
    tpu.vector_store %arg5[%swap3A_86, %swap3A_87], %swap3A_90 {strides = array<i32>} : memref<8x256xf32, #tpu.memory_space<vmem>>, vector<1x16xf32>,
    %swap3A_91 = arith.constant 0 : i32
    %swap3A_92 = arith.index_cast %swap3A_91 : i32 to index
    %swap3A_93 = arith.constant 240 : index
    %swap3A_94 = tpu.vector_load %arg5[%swap3A_92, %swap3A_93] {strides = array<i32>} : memref<8x256xf32, #tpu.memory_space<vmem>>, vector<1x16xf32>,
    %swap3A_95 = vector.shape_cast %swap3A_94 : vector<1x16xf32> to vector<16xf32>
    %swap3A_96 = vector.shape_cast %broadcast_in_dim3A_1 : vector<16xf32> to vector<1x16xf32>
    tpu.vector_store %arg5[%swap3A_92, %swap3A_93], %swap3A_96 {strides = array<i32>} : memref<8x256xf32, #tpu.memory_space<vmem>>, vector<1x16xf32>,
    %swap3A_97 = arith.constant 1 : i32
    %swap3A_98 = arith.index_cast %swap3A_97 : i32 to index
    %swap3A_99 = arith.constant 0 : index
    %swap3A_100 = tpu.vector_load %arg5[%swap3A_98, %swap3A_99] {strides = array<i32>} : memref<8x256xf32, #tpu.memory_space<vmem>>, vector<1x16xf32>,
    %swap3A_101 = vector.shape_cast %swap3A_100 : vector<1x16xf32> to vector<16xf32>
    %swap3A_102 = vector.shape_cast %broadcast_in_dim3A_1 : vector<16xf32> to vector<1x16xf32>
    tpu.vector_store %arg5[%swap3A_98, %swap3A_99], %swap3A_102 {strides = array<i32>} : memref<8x256xf32, #tpu.memory_space<vmem>>, vector<1x16xf32>,
    %swap3A_103 = arith.constant 1 : i32
    %swap3A_104 = arith.index_cast %swap3A_103 : i32 to index
    %swap3A_105 = arith.constant 16 : index
    %swap3A_106 = tpu.vector_load %arg5[%swap3A_104, %swap3A_105] {strides = array<i32>} : memref<8x256xf32, #tpu.memory_space<vmem>>, vector<1x16xf32>,
    %swap3A_107 = vector.shape_cast %swap3A_106 : vector<1x16xf32> to vector<16xf32>
    %swap3A_108 = vector.shape_cast %broadcast_in_dim3A_1 : vector<16xf32> to vector<1x16xf32>
    tpu.vector_store %arg5[%swap3A_104, %swap3A_105], %swap3A_108 {strides = array<i32>} : memref<8x256xf32, #tpu.memory_space<vmem>>, vector<1x16xf32>,
    %swap3A_109 = arith.constant 1 : i32
    %swap3A_110 = arith.index_cast %swap3A_109 : i32 to index
    %swap3A_111 = arith.constant 32 : index
    %swap3A_112 = tpu.vector_load %arg5[%swap3A_110, %swap3A_111] {strides = array<i32>} : memref<8x256xf32, #tpu.memory_space<vmem>>, vector<1x16xf32>,
    %swap3A_113 = vector.shape_cast %swap3A_112 : vector<1x16xf32> to vector<16xf32>
    %swap3A_114 = vector.shape_cast %broadcast_in_dim3A_1 : vector<16xf32> to vector<1x16xf32>
    tpu.vector_store %arg5[%swap3A_110, %swap3A_111], %swap3A_114 {strides = array<i32>} : memref<8x256xf32, #tpu.memory_space<vmem>>, vector<1x16xf32>,
    %swap3A_115 = arith.constant 1 : i32
    %swap3A_116 = arith.index_cast %swap3A_115 : i32 to index
    %swap3A_117 = arith.constant 48 : index
    %swap3A_118 = tpu.vector_load %arg5[%swap3A_116, %swap3A_117] {strides = array<i32>} : memref<8x256xf32, #tpu.memory_space<vmem>>, vector<1x16xf32>,
    %swap3A_119 = vector.shape_cast %swap3A_118 : vector<1x16xf32> to vector<16xf32>
    %swap3A_120 = vector.shape_cast %broadcast_in_dim3A_1 : vector<16xf32> to vector<1x16xf32>
    tpu.vector_store %arg5[%swap3A_116, %swap3A_117], %swap3A_120 {strides = array<i32>} : memref<8x256xf32, #tpu.memory_space<vmem>>, vector<1x16xf32>,
    %swap3A_121 = arith.constant 1 : i32
    %swap3A_122 = arith.index_cast %swap3A_121 : i32 to index
    %swap3A_123 = arith.constant 64 : index
    %swap3A_124 = tpu.vector_load %arg5[%swap3A_122, %swap3A_123] {strides = array<i32>} : memref<8x256xf32, #tpu.memory_space<vmem>>, vector<1x16xf32>,
    %swap3A_125 = vector.shape_cast %swap3A_124 : vector<1x16xf32> to vector<16xf32>
    %swap3A_126 = vector.shape_cast %broadcast_in_dim3A_1 : vector<16xf32> to vector<1x16xf32>
    tpu.vector_store %arg5[%swap3A_122, %swap3A_123], %swap3A_126 {strides = array<i32>} : memref<8x256xf32, #tpu.memory_space<vmem>>, vector<1x16xf32>,
    %swap3A_127 = arith.constant 1 : i32
    %swap3A_128 = arith.index_cast %swap3A_127 : i32 to index
    %swap3A_129 = arith.constant 80 : index
    %swap3A_130 = tpu.vector_load %arg5[%swap3A_128, %swap3A_129] {strides = array<i32>} : memref<8x256xf32, #tpu.memory_space<vmem>>, vector<1x16xf32>,
    %swap3A_131 = vector.shape_cast %swap3A_130 : vector<1x16xf32> to vector<16xf32>
    %swap3A_132 = vector.shape_cast %broadcast_in_dim3A_1 : vector<16xf32> to vector<1x16xf32>
    tpu.vector_store %arg5[%swap3A_128, %swap3A_129], %swap3A_132 {strides = array<i32>} : memref<8x256xf32, #tpu.memory_space<vmem>>, vector<1x16xf32>,
    %swap3A_133 = arith.constant 1 : i32
    %swap3A_134 = arith.index_cast %swap3A_133 : i32 to index
    %swap3A_135 = arith.constant 96 : index
    %swap3A_136 = tpu.vector_load %arg5[%swap3A_134, %swap3A_135] {strides = array<i32>} : memref<8x256xf32, #tpu.memory_space<vmem>>, vector<1x16xf32>,
    %swap3A_137 = vector.shape_cast %swap3A_136 : vector<1x16xf32> to vector<16xf32>
    %swap3A_138 = vector.shape_cast %broadcast_in_dim3A_1 : vector<16xf32> to vector<1x16xf32>
    tpu.vector_store %arg5[%swap3A_134, %swap3A_135], %swap3A_138 {strides = array<i32>} : memref<8x256xf32, #tpu.memory_space<vmem>>, vector<1x16xf32>,
    %swap3A_139 = arith.constant 1 : i32
    %swap3A_140 = arith.index_cast %swap3A_139 : i32 to index
    %swap3A_141 = arith.constant 112 : index
    %swap3A_142 = tpu.vector_load %arg5[%swap3A_140, %swap3A_141] {strides = array<i32>} : memref<8x256xf32, #tpu.memory_space<vmem>>, vector<1x16xf32>,
    %swap3A_143 = vector.shape_cast %swap3A_142 : vector<1x16xf32> to vector<16xf32>
    %swap3A_144 = vector.shape_cast %broadcast_in_dim3A_1 : vector<16xf32> to vector<1x16xf32>
    tpu.vector_store %arg5[%swap3A_140, %swap3A_141], %swap3A_144 {strides = array<i32>} : memref<8x256xf32, #tpu.memory_space<vmem>>, vector<1x16xf32>,
    %swap3A_145 = arith.constant 1 : i32
    %swap3A_146 = arith.index_cast %swap3A_145 : i32 to index
    %swap3A_147 = arith.constant 128 : index
    %swap3A_148 = tpu.vector_load %arg5[%swap3A_146, %swap3A_147] {strides = array<i32>} : memref<8x256xf32, #tpu.memory_space<vmem>>, vector<1x16xf32>,
    %swap3A_149 = vector.shape_cast %swap3A_148 : vector<1x16xf32> to vector<16xf32>
    %swap3A_150 = vector.shape_cast %broadcast_in_dim3A_1 : vector<16xf32> to vector<1x16xf32>
    tpu.vector_store %arg5[%swap3A_146, %swap3A_147], %swap3A_150 {strides = array<i32>} : memref<8x256xf32, #tpu.memory_space<vmem>>, vector<1x16xf32>,
    %swap3A_151 = arith.constant 1 : i32
    %swap3A_152 = arith.index_cast %swap3A_151 : i32 to index
    %swap3A_153 = arith.constant 144 : index
    %swap3A_154 = tpu.vector_load %arg5[%swap3A_152, %swap3A_153] {strides = array<i32>} : memref<8x256xf32, #tpu.memory_space<vmem>>, vector<1x16xf32>,
    %swap3A_155 = vector.shape_cast %swap3A_154 : vector<1x16xf32> to vector<16xf32>
    %swap3A_156 = vector.shape_cast %broadcast_in_dim3A_1 : vector<16xf32> to vector<1x16xf32>
    tpu.vector_store %arg5[%swap3A_152, %swap3A_153], %swap3A_156 {strides = array<i32>} : memref<8x256xf32, #tpu.memory_space<vmem>>, vector<1x16xf32>,
    %swap3A_157 = arith.constant 1 : i32
    %swap3A_158 = arith.index_cast %swap3A_157 : i32 to index
    %swap3A_159 = arith.constant 160 : index
    %swap3A_160 = tpu.vector_load %arg5[%swap3A_158, %swap3A_159] {strides = array<i32>} : memref<8x256xf32, #tpu.memory_space<vmem>>, vector<1x16xf32>,
    %swap3A_161 = vector.shape_cast %swap3A_160 : vector<1x16xf32> to vector<16xf32>
    %swap3A_162 = vector.shape_cast %broadcast_in_dim3A_1 : vector<16xf32> to vector<1x16xf32>
    tpu.vector_store %arg5[%swap3A_158, %swap3A_159], %swap3A_162 {strides = array<i32>} : memref<8x256xf32, #tpu.memory_space<vmem>>, vector<1x16xf32>,
    %swap3A_163 = arith.constant 1 : i32
    %swap3A_164 = arith.index_cast %swap3A_163 : i32 to index
    %swap3A_165 = arith.constant 176 : index
    %swap3A_166 = tpu.vector_load %arg5[%swap3A_164, %swap3A_165] {strides = array<i32>} : memref<8x256xf32, #tpu.memory_space<vmem>>, vector<1x16xf32>,
    %swap3A_167 = vector.shape_cast %swap3A_166 : vector<1x16xf32> to vector<16xf32>
    %swap3A_168 = vector.shape_cast %broadcast_in_dim3A_1 : vector<16xf32> to vector<1x16xf32>
    tpu.vector_store %arg5[%swap3A_164, %swap3A_165], %swap3A_168 {strides = array<i32>} : memref<8x256xf32, #tpu.memory_space<vmem>>, vector<1x16xf32>,
    %swap3A_169 = arith.constant 1 : i32
    %swap3A_170 = arith.index_cast %swap3A_169 : i32 to index
    %swap3A_171 = arith.constant 192 : index
    %swap3A_172 = tpu.vector_load %arg5[%swap3A_170, %swap3A_171] {strides = array<i32>} : memref<8x256xf32, #tpu.memory_space<vmem>>, vector<1x16xf32>,
    %swap3A_173 = vector.shape_cast %swap3A_172 : vector<1x16xf32> to vector<16xf32>
    %swap3A_174 = vector.shape_cast %broadcast_in_dim3A_1 : vector<16xf32> to vector<1x16xf32>
    tpu.vector_store %arg5[%swap3A_170, %swap3A_171], %swap3A_174 {strides = array<i32>} : memref<8x256xf32, #tpu.memory_space<vmem>>, vector<1x16xf32>,
    %swap3A_175 = arith.constant 1 : i32
    %swap3A_176 = arith.index_cast %swap3A_175 : i32 to index
    %swap3A_177 = arith.constant 208 : index
    %swap3A_178 = tpu.vector_load %arg5[%swap3A_176, %swap3A_177] {strides = array<i32>} : memref<8x256xf32, #tpu.memory_space<vmem>>, vector<1x16xf32>,
    %swap3A_179 = vector.shape_cast %swap3A_178 : vector<1x16xf32> to vector<16xf32>
    %swap3A_180 = vector.shape_cast %broadcast_in_dim3A_1 : vector<16xf32> to vector<1x16xf32>
    tpu.vector_store %arg5[%swap3A_176, %swap3A_177], %swap3A_180 {strides = array<i32>} : memref<8x256xf32, #tpu.memory_space<vmem>>, vector<1x16xf32>,
    %swap3A_181 = arith.constant 1 : i32
    %swap3A_182 = arith.index_cast %swap3A_181 : i32 to index
    %swap3A_183 = arith.constant 224 : index
    %swap3A_184 = tpu.vector_load %arg5[%swap3A_182, %swap3A_183] {strides = array<i32>} : memref<8x256xf32, #tpu.memory_space<vmem>>, vector<1x16xf32>,
    %swap3A_185 = vector.shape_cast %swap3A_184 : vector<1x16xf32> to vector<16xf32>
    %swap3A_186 = vector.shape_cast %broadcast_in_dim3A_1 : vector<16xf32> to vector<1x16xf32>
    tpu.vector_store %arg5[%swap3A_182, %swap3A_183], %swap3A_186 {strides = array<i32>} : memref<8x256xf32, #tpu.memory_space<vmem>>, vector<1x16xf32>,
    %swap3A_187 = arith.constant 1 : i32
    %swap3A_188 = arith.index_cast %swap3A_187 : i32 to index
    %swap3A_189 = arith.constant 240 : index
    %swap3A_190 = tpu.vector_load %arg5[%swap3A_188, %swap3A_189] {strides = array<i32>} : memref<8x256xf32, #tpu.memory_space<vmem>>, vector<1x16xf32>,
    %swap3A_191 = vector.shape_cast %swap3A_190 : vector<1x16xf32> to vector<16xf32>
    %swap3A_192 = vector.shape_cast %broadcast_in_dim3A_1 : vector<16xf32> to vector<1x16xf32>
    tpu.vector_store %arg5[%swap3A_188, %swap3A_189], %swap3A_192 {strides = array<i32>} : memref<8x256xf32, #tpu.memory_space<vmem>>, vector<1x16xf32>,
    %swap3A_193 = arith.constant 2 : i32
    %swap3A_194 = arith.index_cast %swap3A_193 : i32 to index
    %swap3A_195 = arith.constant 0 : index
    %swap3A_196 = tpu.vector_load %arg5[%swap3A_194, %swap3A_195] {strides = array<i32>} : memref<8x256xf32, #tpu.memory_space<vmem>>, vector<1x16xf32>,
    %swap3A_197 = vector.shape_cast %swap3A_196 : vector<1x16xf32> to vector<16xf32>
    %swap3A_198 = vector.shape_cast %broadcast_in_dim3A_1 : vector<16xf32> to vector<1x16xf32>
    tpu.vector_store %arg5[%swap3A_194, %swap3A_195], %swap3A_198 {strides = array<i32>} : memref<8x256xf32, #tpu.memory_space<vmem>>, vector<1x16xf32>,
    %swap3A_199 = arith.constant 2 : i32
    %swap3A_200 = arith.index_cast %swap3A_199 : i32 to index
    %swap3A_201 = arith.constant 16 : index
    %swap3A_202 = tpu.vector_load %arg5[%swap3A_200, %swap3A_201] {strides = array<i32>} : memref<8x256xf32, #tpu.memory_space<vmem>>, vector<1x16xf32>,
    %swap3A_203 = vector.shape_cast %swap3A_202 : vector<1x16xf32> to vector<16xf32>
    %swap3A_204 = vector.shape_cast %broadcast_in_dim3A_1 : vector<16xf32> to vector<1x16xf32>
    tpu.vector_store %arg5[%swap3A_200, %swap3A_201], %swap3A_204 {strides = array<i32>} : memref<8x256xf32, #tpu.memory_space<vmem>>, vector<1x16xf32>,
    %swap3A_205 = arith.constant 2 : i32
    %swap3A_206 = arith.index_cast %swap3A_205 : i32 to index
    %swap3A_207 = arith.constant 32 : index
    %swap3A_208 = tpu.vector_load %arg5[%swap3A_206, %swap3A_207] {strides = array<i32>} : memref<8x256xf32, #tpu.memory_space<vmem>>, vector<1x16xf32>,
    %swap3A_209 = vector.shape_cast %swap3A_208 : vector<1x16xf32> to vector<16xf32>
    %swap3A_210 = vector.shape_cast %broadcast_in_dim3A_1 : vector<16xf32> to vector<1x16xf32>
    tpu.vector_store %arg5[%swap3A_206, %swap3A_207], %swap3A_210 {strides = array<i32>} : memref<8x256xf32, #tpu.memory_space<vmem>>, vector<1x16xf32>,
    %swap3A_211 = arith.constant 2 : i32
    %swap3A_212 = arith.index_cast %swap3A_211 : i32 to index
    %swap3A_213 = arith.constant 48 : index
    %swap3A_214 = tpu.vector_load %arg5[%swap3A_212, %swap3A_213] {strides = array<i32>} : memref<8x256xf32, #tpu.memory_space<vmem>>, vector<1x16xf32>,
    %swap3A_215 = vector.shape_cast %swap3A_214 : vector<1x16xf32> to vector<16xf32>
    %swap3A_216 = vector.shape_cast %broadcast_in_dim3A_1 : vector<16xf32> to vector<1x16xf32>
    tpu.vector_store %arg5[%swap3A_212, %swap3A_213], %swap3A_216 {strides = array<i32>} : memref<8x256xf32, #tpu.memory_space<vmem>>, vector<1x16xf32>,
    %swap3A_217 = arith.constant 2 : i32
    %swap3A_218 = arith.index_cast %swap3A_217 : i32 to index
    %swap3A_219 = arith.constant 64 : index
    %swap3A_220 = tpu.vector_load %arg5[%swap3A_218, %swap3A_219] {strides = array<i32>} : memref<8x256xf32, #tpu.memory_space<vmem>>, vector<1x16xf32>,
    %swap3A_221 = vector.shape_cast %swap3A_220 : vector<1x16xf32> to vector<16xf32>
    %swap3A_222 = vector.shape_cast %broadcast_in_dim3A_1 : vector<16xf32> to vector<1x16xf32>
    tpu.vector_store %arg5[%swap3A_218, %swap3A_219], %swap3A_222 {strides = array<i32>} : memref<8x256xf32, #tpu.memory_space<vmem>>, vector<1x16xf32>,
    %swap3A_223 = arith.constant 2 : i32
    %swap3A_224 = arith.index_cast %swap3A_223 : i32 to index
    %swap3A_225 = arith.constant 80 : index
    %swap3A_226 = tpu.vector_load %arg5[%swap3A_224, %swap3A_225] {strides = array<i32>} : memref<8x256xf32, #tpu.memory_space<vmem>>, vector<1x16xf32>,
    %swap3A_227 = vector.shape_cast %swap3A_226 : vector<1x16xf32> to vector<16xf32>
    %swap3A_228 = vector.shape_cast %broadcast_in_dim3A_1 : vector<16xf32> to vector<1x16xf32>
    tpu.vector_store %arg5[%swap3A_224, %swap3A_225], %swap3A_228 {strides = array<i32>} : memref<8x256xf32, #tpu.memory_space<vmem>>, vector<1x16xf32>,
    %swap3A_229 = arith.constant 2 : i32
    %swap3A_230 = arith.index_cast %swap3A_229 : i32 to index
    %swap3A_231 = arith.constant 96 : index
    %swap3A_232 = tpu.vector_load %arg5[%swap3A_230, %swap3A_231] {strides = array<i32>} : memref<8x256xf32, #tpu.memory_space<vmem>>, vector<1x16xf32>,
    %swap3A_233 = vector.shape_cast %swap3A_232 : vector<1x16xf32> to vector<16xf32>
    %swap3A_234 = vector.shape_cast %broadcast_in_dim3A_1 : vector<16xf32> to vector<1x16xf32>
    tpu.vector_store %arg5[%swap3A_230, %swap3A_231], %swap3A_234 {strides = array<i32>} : memref<8x256xf32, #tpu.memory_space<vmem>>, vector<1x16xf32>,
    %swap3A_235 = arith.constant 2 : i32
    %swap3A_236 = arith.index_cast %swap3A_235 : i32 to index
    %swap3A_237 = arith.constant 112 : index
    %swap3A_238 = tpu.vector_load %arg5[%swap3A_236, %swap3A_237] {strides = array<i32>} : memref<8x256xf32, #tpu.memory_space<vmem>>, vector<1x16xf32>,
    %swap3A_239 = vector.shape_cast %swap3A_238 : vector<1x16xf32> to vector<16xf32>
    %swap3A_240 = vector.shape_cast %broadcast_in_dim3A_1 : vector<16xf32> to vector<1x16xf32>
    tpu.vector_store %arg5[%swap3A_236, %swap3A_237], %swap3A_240 {strides = array<i32>} : memref<8x256xf32, #tpu.memory_space<vmem>>, vector<1x16xf32>,
    %swap3A_241 = arith.constant 2 : i32
    %swap3A_242 = arith.index_cast %swap3A_241 : i32 to index
    %swap3A_243 = arith.constant 128 : index
    %swap3A_244 = tpu.vector_load %arg5[%swap3A_242, %swap3A_243] {strides = array<i32>} : memref<8x256xf32, #tpu.memory_space<vmem>>, vector<1x16xf32>,
    %swap3A_245 = vector.shape_cast %swap3A_244 : vector<1x16xf32> to vector<16xf32>
    %swap3A_246 = vector.shape_cast %broadcast_in_dim3A_1 : vector<16xf32> to vector<1x16xf32>
    tpu.vector_store %arg5[%swap3A_242, %swap3A_243], %swap3A_246 {strides = array<i32>} : memref<8x256xf32, #tpu.memory_space<vmem>>, vector<1x16xf32>,
    %swap3A_247 = arith.constant 2 : i32
    %swap3A_248 = arith.index_cast %swap3A_247 : i32 to index
    %swap3A_249 = arith.constant 144 : index
    %swap3A_250 = tpu.vector_load %arg5[%swap3A_248, %swap3A_249] {strides = array<i32>} : memref<8x256xf32, #tpu.memory_space<vmem>>, vector<1x16xf32>,
    %swap3A_251 = vector.shape_cast %swap3A_250 : vector<1x16xf32> to vector<16xf32>
    %swap3A_252 = vector.shape_cast %broadcast_in_dim3A_1 : vector<16xf32> to vector<1x16xf32>
    tpu.vector_store %arg5[%swap3A_248, %swap3A_249], %swap3A_252 {strides = array<i32>} : memref<8x256xf32, #tpu.memory_space<vmem>>, vector<1x16xf32>,
    %swap3A_253 = arith.constant 2 : i32
    %swap3A_254 = arith.index_cast %swap3A_253 : i32 to index
    %swap3A_255 = arith.constant 160 : index
    %swap3A_256 = tpu.vector_load %arg5[%swap3A_254, %swap3A_255] {strides = array<i32>} : memref<8x256xf32, #tpu.memory_space<vmem>>, vector<1x16xf32>,
    %swap3A_257 = vector.shape_cast %swap3A_256 : vector<1x16xf32> to vector<16xf32>
    %swap3A_258 = vector.shape_cast %broadcast_in_dim3A_1 : vector<16xf32> to vector<1x16xf32>
    tpu.vector_store %arg5[%swap3A_254, %swap3A_255], %swap3A_258 {strides = array<i32>} : memref<8x256xf32, #tpu.memory_space<vmem>>, vector<1x16xf32>,
    %swap3A_259 = arith.constant 2 : i32
    %swap3A_260 = arith.index_cast %swap3A_259 : i32 to index
    %swap3A_261 = arith.constant 176 : index
    %swap3A_262 = tpu.vector_load %arg5[%swap3A_260, %swap3A_261] {strides = array<i32>} : memref<8x256xf32, #tpu.memory_space<vmem>>, vector<1x16xf32>,
    %swap3A_263 = vector.shape_cast %swap3A_262 : vector<1x16xf32> to vector<16xf32>
    %swap3A_264 = vector.shape_cast %broadcast_in_dim3A_1 : vector<16xf32> to vector<1x16xf32>
    tpu.vector_store %arg5[%swap3A_260, %swap3A_261], %swap3A_264 {strides = array<i32>} : memref<8x256xf32, #tpu.memory_space<vmem>>, vector<1x16xf32>,
    %swap3A_265 = arith.constant 2 : i32
    %swap3A_266 = arith.index_cast %swap3A_265 : i32 to index
    %swap3A_267 = arith.constant 192 : index
    %swap3A_268 = tpu.vector_load %arg5[%swap3A_266, %swap3A_267] {strides = array<i32>} : memref<8x256xf32, #tpu.memory_space<vmem>>, vector<1x16xf32>,
    %swap3A_269 = vector.shape_cast %swap3A_268 : vector<1x16xf32> to vector<16xf32>
    %swap3A_270 = vector.shape_cast %broadcast_in_dim3A_1 : vector<16xf32> to vector<1x16xf32>
    tpu.vector_store %arg5[%swap3A_266, %swap3A_267], %swap3A_270 {strides = array<i32>} : memref<8x256xf32, #tpu.memory_space<vmem>>, vector<1x16xf32>,
    %swap3A_271 = arith.constant 2 : i32
    %swap3A_272 = arith.index_cast %swap3A_271 : i32 to index
    %swap3A_273 = arith.constant 208 : index
    %swap3A_274 = tpu.vector_load %arg5[%swap3A_272, %swap3A_273] {strides = array<i32>} : memref<8x256xf32, #tpu.memory_space<vmem>>, vector<1x16xf32>,
    %swap3A_275 = vector.shape_cast %swap3A_274 : vector<1x16xf32> to vector<16xf32>
    %swap3A_276 = vector.shape_cast %broadcast_in_dim3A_1 : vector<16xf32> to vector<1x16xf32>
    tpu.vector_store %arg5[%swap3A_272, %swap3A_273], %swap3A_276 {strides = array<i32>} : memref<8x256xf32, #tpu.memory_space<vmem>>, vector<1x16xf32>,
    %swap3A_277 = arith.constant 2 : i32
    %swap3A_278 = arith.index_cast %swap3A_277 : i32 to index
    %swap3A_279 = arith.constant 224 : index
    %swap3A_280 = tpu.vector_load %arg5[%swap3A_278, %swap3A_279] {strides = array<i32>} : memref<8x256xf32, #tpu.memory_space<vmem>>, vector<1x16xf32>,
    %swap3A_281 = vector.shape_cast %swap3A_280 : vector<1x16xf32> to vector<16xf32>
    %swap3A_282 = vector.shape_cast %broadcast_in_dim3A_1 : vector<16xf32> to vector<1x16xf32>
    tpu.vector_store %arg5[%swap3A_278, %swap3A_279], %swap3A_282 {strides = array<i32>} : memref<8x256xf32, #tpu.memory_space<vmem>>, vector<1x16xf32>,
    %swap3A_283 = arith.constant 2 : i32
    %swap3A_284 = arith.index_cast %swap3A_283 : i32 to index
    %swap3A_285 = arith.constant 240 : index
    %swap3A_286 = tpu.vector_load %arg5[%swap3A_284, %swap3A_285] {strides = array<i32>} : memref<8x256xf32, #tpu.memory_space<vmem>>, vector<1x16xf32>,
    %swap3A_287 = vector.shape_cast %swap3A_286 : vector<1x16xf32> to vector<16xf32>
    %swap3A_288 = vector.shape_cast %broadcast_in_dim3A_1 : vector<16xf32> to vector<1x16xf32>
    tpu.vector_store %arg5[%swap3A_284, %swap3A_285], %swap3A_288 {strides = array<i32>} : memref<8x256xf32, #tpu.memory_space<vmem>>, vector<1x16xf32>,
    %swap3A_289 = arith.constant 3 : i32
    %swap3A_290 = arith.index_cast %swap3A_289 : i32 to index
    %swap3A_291 = arith.constant 0 : index
    %swap3A_292 = tpu.vector_load %arg5[%swap3A_290, %swap3A_291] {strides = array<i32>} : memref<8x256xf32, #tpu.memory_space<vmem>>, vector<1x16xf32>,
    %swap3A_293 = vector.shape_cast %swap3A_292 : vector<1x16xf32> to vector<16xf32>
    %swap3A_294 = vector.shape_cast %broadcast_in_dim3A_1 : vector<16xf32> to vector<1x16xf32>
    tpu.vector_store %arg5[%swap3A_290, %swap3A_291], %swap3A_294 {strides = array<i32>} : memref<8x256xf32, #tpu.memory_space<vmem>>, vector<1x16xf32>,
    %swap3A_295 = arith.constant 3 : i32
    %swap3A_296 = arith.index_cast %swap3A_295 : i32 to index
    %swap3A_297 = arith.constant 16 : index
    %swap3A_298 = tpu.vector_load %arg5[%swap3A_296, %swap3A_297] {strides = array<i32>} : memref<8x256xf32, #tpu.memory_space<vmem>>, vector<1x16xf32>,
    %swap3A_299 = vector.shape_cast %swap3A_298 : vector<1x16xf32> to vector<16xf32>
    %swap3A_300 = vector.shape_cast %broadcast_in_dim3A_1 : vector<16xf32> to vector<1x16xf32>
    tpu.vector_store %arg5[%swap3A_296, %swap3A_297], %swap3A_300 {strides = array<i32>} : memref<8x256xf32, #tpu.memory_space<vmem>>, vector<1x16xf32>,
    %swap3A_301 = arith.constant 3 : i32
    %swap3A_302 = arith.index_cast %swap3A_301 : i32 to index
    %swap3A_303 = arith.constant 32 : index
    %swap3A_304 = tpu.vector_load %arg5[%swap3A_302, %swap3A_303] {strides = array<i32>} : memref<8x256xf32, #tpu.memory_space<vmem>>, vector<1x16xf32>,
    %swap3A_305 = vector.shape_cast %swap3A_304 : vector<1x16xf32> to vector<16xf32>
    %swap3A_306 = vector.shape_cast %broadcast_in_dim3A_1 : vector<16xf32> to vector<1x16xf32>
    tpu.vector_store %arg5[%swap3A_302, %swap3A_303], %swap3A_306 {strides = array<i32>} : memref<8x256xf32, #tpu.memory_space<vmem>>, vector<1x16xf32>,
    %swap3A_307 = arith.constant 3 : i32
    %swap3A_308 = arith.index_cast %swap3A_307 : i32 to index
    %swap3A_309 = arith.constant 48 : index
    %swap3A_310 = tpu.vector_load %arg5[%swap3A_308, %swap3A_309] {strides = array<i32>} : memref<8x256xf32, #tpu.memory_space<vmem>>, vector<1x16xf32>,
    %swap3A_311 = vector.shape_cast %swap3A_310 : vector<1x16xf32> to vector<16xf32>
    %swap3A_312 = vector.shape_cast %broadcast_in_dim3A_1 : vector<16xf32> to vector<1x16xf32>
    tpu.vector_store %arg5[%swap3A_308, %swap3A_309], %swap3A_312 {strides = array<i32>} : memref<8x256xf32, #tpu.memory_space<vmem>>, vector<1x16xf32>,
    %swap3A_313 = arith.constant 3 : i32
    %swap3A_314 = arith.index_cast %swap3A_313 : i32 to index
    %swap3A_315 = arith.constant 64 : index
    %swap3A_316 = tpu.vector_load %arg5[%swap3A_314, %swap3A_315] {strides = array<i32>} : memref<8x256xf32, #tpu.memory_space<vmem>>, vector<1x16xf32>,
    %swap3A_317 = vector.shape_cast %swap3A_316 : vector<1x16xf32> to vector<16xf32>
    %swap3A_318 = vector.shape_cast %broadcast_in_dim3A_1 : vector<16xf32> to vector<1x16xf32>
    tpu.vector_store %arg5[%swap3A_314, %swap3A_315], %swap3A_318 {strides = array<i32>} : memref<8x256xf32, #tpu.memory_space<vmem>>, vector<1x16xf32>,
    %swap3A_319 = arith.constant 3 : i32
    %swap3A_320 = arith.index_cast %swap3A_319 : i32 to index
    %swap3A_321 = arith.constant 80 : index
    %swap3A_322 = tpu.vector_load %arg5[%swap3A_320, %swap3A_321] {strides = array<i32>} : memref<8x256xf32, #tpu.memory_space<vmem>>, vector<1x16xf32>,
    %swap3A_323 = vector.shape_cast %swap3A_322 : vector<1x16xf32> to vector<16xf32>
    %swap3A_324 = vector.shape_cast %broadcast_in_dim3A_1 : vector<16xf32> to vector<1x16xf32>
    tpu.vector_store %arg5[%swap3A_320, %swap3A_321], %swap3A_324 {strides = array<i32>} : memref<8x256xf32, #tpu.memory_space<vmem>>, vector<1x16xf32>,
    %swap3A_325 = arith.constant 3 : i32
    %swap3A_326 = arith.index_cast %swap3A_325 : i32 to index
    %swap3A_327 = arith.constant 96 : index
    %swap3A_328 = tpu.vector_load %arg5[%swap3A_326, %swap3A_327] {strides = array<i32>} : memref<8x256xf32, #tpu.memory_space<vmem>>, vector<1x16xf32>,
    %swap3A_329 = vector.shape_cast %swap3A_328 : vector<1x16xf32> to vector<16xf32>
    %swap3A_330 = vector.shape_cast %broadcast_in_dim3A_1 : vector<16xf32> to vector<1x16xf32>
    tpu.vector_store %arg5[%swap3A_326, %swap3A_327], %swap3A_330 {strides = array<i32>} : memref<8x256xf32, #tpu.memory_space<vmem>>, vector<1x16xf32>,
    %swap3A_331 = arith.constant 3 : i32
    %swap3A_332 = arith.index_cast %swap3A_331 : i32 to index
    %swap3A_333 = arith.constant 112 : index
    %swap3A_334 = tpu.vector_load %arg5[%swap3A_332, %swap3A_333] {strides = array<i32>} : memref<8x256xf32, #tpu.memory_space<vmem>>, vector<1x16xf32>,
    %swap3A_335 = vector.shape_cast %swap3A_334 : vector<1x16xf32> to vector<16xf32>
    %swap3A_336 = vector.shape_cast %broadcast_in_dim3A_1 : vector<16xf32> to vector<1x16xf32>
    tpu.vector_store %arg5[%swap3A_332, %swap3A_333], %swap3A_336 {strides = array<i32>} : memref<8x256xf32, #tpu.memory_space<vmem>>, vector<1x16xf32>,
    %swap3A_337 = arith.constant 3 : i32
    %swap3A_338 = arith.index_cast %swap3A_337 : i32 to index
    %swap3A_339 = arith.constant 128 : index
    %swap3A_340 = tpu.vector_load %arg5[%swap3A_338, %swap3A_339] {strides = array<i32>} : memref<8x256xf32, #tpu.memory_space<vmem>>, vector<1x16xf32>,
    %swap3A_341 = vector.shape_cast %swap3A_340 : vector<1x16xf32> to vector<16xf32>
    %swap3A_342 = vector.shape_cast %broadcast_in_dim3A_1 : vector<16xf32> to vector<1x16xf32>
    tpu.vector_store %arg5[%swap3A_338, %swap3A_339], %swap3A_342 {strides = array<i32>} : memref<8x256xf32, #tpu.memory_space<vmem>>, vector<1x16xf32>,
    %swap3A_343 = arith.constant 3 : i32
    %swap3A_344 = arith.index_cast %swap3A_343 : i32 to index
    %swap3A_345 = arith.constant 144 : index
    %swap3A_346 = tpu.vector_load %arg5[%swap3A_344, %swap3A_345] {strides = array<i32>} : memref<8x256xf32, #tpu.memory_space<vmem>>, vector<1x16xf32>,
    %swap3A_347 = vector.shape_cast %swap3A_346 : vector<1x16xf32> to vector<16xf32>
    %swap3A_348 = vector.shape_cast %broadcast_in_dim3A_1 : vector<16xf32> to vector<1x16xf32>
    tpu.vector_store %arg5[%swap3A_344, %swap3A_345], %swap3A_348 {strides = array<i32>} : memref<8x256xf32, #tpu.memory_space<vmem>>, vector<1x16xf32>,
    %swap3A_349 = arith.constant 3 : i32
    %swap3A_350 = arith.index_cast %swap3A_349 : i32 to index
    %swap3A_351 = arith.constant 160 : index
    %swap3A_352 = tpu.vector_load %arg5[%swap3A_350, %swap3A_351] {strides = array<i32>} : memref<8x256xf32, #tpu.memory_space<vmem>>, vector<1x16xf32>,
    %swap3A_353 = vector.shape_cast %swap3A_352 : vector<1x16xf32> to vector<16xf32>
    %swap3A_354 = vector.shape_cast %broadcast_in_dim3A_1 : vector<16xf32> to vector<1x16xf32>
    tpu.vector_store %arg5[%swap3A_350, %swap3A_351], %swap3A_354 {strides = array<i32>} : memref<8x256xf32, #tpu.memory_space<vmem>>, vector<1x16xf32>,
    %swap3A_355 = arith.constant 3 : i32
    %swap3A_356 = arith.index_cast %swap3A_355 : i32 to index
    %swap3A_357 = arith.constant 176 : index
    %swap3A_358 = tpu.vector_load %arg5[%swap3A_356, %swap3A_357] {strides = array<i32>} : memref<8x256xf32, #tpu.memory_space<vmem>>, vector<1x16xf32>,
    %swap3A_359 = vector.shape_cast %swap3A_358 : vector<1x16xf32> to vector<16xf32>
    %swap3A_360 = vector.shape_cast %broadcast_in_dim3A_1 : vector<16xf32> to vector<1x16xf32>
    tpu.vector_store %arg5[%swap3A_356, %swap3A_357], %swap3A_360 {strides = array<i32>} : memref<8x256xf32, #tpu.memory_space<vmem>>, vector<1x16xf32>,
    %swap3A_361 = arith.constant 3 : i32
    %swap3A_362 = arith.index_cast %swap3A_361 : i32 to index
    %swap3A_363 = arith.constant 192 : index
    %swap3A_364 = tpu.vector_load %arg5[%swap3A_362, %swap3A_363] {strides = array<i32>} : memref<8x256xf32, #tpu.memory_space<vmem>>, vector<1x16xf32>,
    %swap3A_365 = vector.shape_cast %swap3A_364 : vector<1x16xf32> to vector<16xf32>
    %swap3A_366 = vector.shape_cast %broadcast_in_dim3A_1 : vector<16xf32> to vector<1x16xf32>
    tpu.vector_store %arg5[%swap3A_362, %swap3A_363], %swap3A_366 {strides = array<i32>} : memref<8x256xf32, #tpu.memory_space<vmem>>, vector<1x16xf32>,
    %swap3A_367 = arith.constant 3 : i32
    %swap3A_368 = arith.index_cast %swap3A_367 : i32 to index
    %swap3A_369 = arith.constant 208 : index
    %swap3A_370 = tpu.vector_load %arg5[%swap3A_368, %swap3A_369] {strides = array<i32>} : memref<8x256xf32, #tpu.memory_space<vmem>>, vector<1x16xf32>,
    %swap3A_371 = vector.shape_cast %swap3A_370 : vector<1x16xf32> to vector<16xf32>
    %swap3A_372 = vector.shape_cast %broadcast_in_dim3A_1 : vector<16xf32> to vector<1x16xf32>
    tpu.vector_store %arg5[%swap3A_368, %swap3A_369], %swap3A_372 {strides = array<i32>} : memref<8x256xf32, #tpu.memory_space<vmem>>, vector<1x16xf32>,
    %swap3A_373 = arith.constant 3 : i32
    %swap3A_374 = arith.index_cast %swap3A_373 : i32 to index
    %swap3A_375 = arith.constant 224 : index
    %swap3A_376 = tpu.vector_load %arg5[%swap3A_374, %swap3A_375] {strides = array<i32>} : memref<8x256xf32, #tpu.memory_space<vmem>>, vector<1x16xf32>,
    %swap3A_377 = vector.shape_cast %swap3A_376 : vector<1x16xf32> to vector<16xf32>
    %swap3A_378 = vector.shape_cast %broadcast_in_dim3A_1 : vector<16xf32> to vector<1x16xf32>
    tpu.vector_store %arg5[%swap3A_374, %swap3A_375], %swap3A_378 {strides = array<i32>} : memref<8x256xf32, #tpu.memory_space<vmem>>, vector<1x16xf32>,
    %swap3A_379 = arith.constant 3 : i32
    %swap3A_380 = arith.index_cast %swap3A_379 : i32 to index
    %swap3A_381 = arith.constant 240 : index
    %swap3A_382 = tpu.vector_load %arg5[%swap3A_380, %swap3A_381] {strides = array<i32>} : memref<8x256xf32, #tpu.memory_space<vmem>>, vector<1x16xf32>,
    %swap3A_383 = vector.shape_cast %swap3A_382 : vector<1x16xf32> to vector<16xf32>
    %swap3A_384 = vector.shape_cast %broadcast_in_dim3A_1 : vector<16xf32> to vector<1x16xf32>
    tpu.vector_store %arg5[%swap3A_380, %swap3A_381], %swap3A_384 {strides = array<i32>} : memref<8x256xf32, #tpu.memory_space<vmem>>, vector<1x16xf32>,
    %swap3A_385 = arith.constant 4 : i32
    %swap3A_386 = arith.index_cast %swap3A_385 : i32 to index
    %swap3A_387 = arith.constant 0 : index
    %swap3A_388 = tpu.vector_load %arg5[%swap3A_386, %swap3A_387] {strides = array<i32>} : memref<8x256xf32, #tpu.memory_space<vmem>>, vector<1x16xf32>,
    %swap3A_389 = vector.shape_cast %swap3A_388 : vector<1x16xf32> to vector<16xf32>
    %swap3A_390 = vector.shape_cast %broadcast_in_dim3A_1 : vector<16xf32> to vector<1x16xf32>
    tpu.vector_store %arg5[%swap3A_386, %swap3A_387], %swap3A_390 {strides = array<i32>} : memref<8x256xf32, #tpu.memory_space<vmem>>, vector<1x16xf32>,
    %swap3A_391 = arith.constant 4 : i32
    %swap3A_392 = arith.index_cast %swap3A_391 : i32 to index
    %swap3A_393 = arith.constant 16 : index
    %swap3A_394 = tpu.vector_load %arg5[%swap3A_392, %swap3A_393] {strides = array<i32>} : memref<8x256xf32, #tpu.memory_space<vmem>>, vector<1x16xf32>,
    %swap3A_395 = vector.shape_cast %swap3A_394 : vector<1x16xf32> to vector<16xf32>
    %swap3A_396 = vector.shape_cast %broadcast_in_dim3A_1 : vector<16xf32> to vector<1x16xf32>
    tpu.vector_store %arg5[%swap3A_392, %swap3A_393], %swap3A_396 {strides = array<i32>} : memref<8x256xf32, #tpu.memory_space<vmem>>, vector<1x16xf32>,
    %swap3A_397 = arith.constant 4 : i32
    %swap3A_398 = arith.index_cast %swap3A_397 : i32 to index
    %swap3A_399 = arith.constant 32 : index
    %swap3A_400 = tpu.vector_load %arg5[%swap3A_398, %swap3A_399] {strides = array<i32>} : memref<8x256xf32, #tpu.memory_space<vmem>>, vector<1x16xf32>,
    %swap3A_401 = vector.shape_cast %swap3A_400 : vector<1x16xf32> to vector<16xf32>
    %swap3A_402 = vector.shape_cast %broadcast_in_dim3A_1 : vector<16xf32> to vector<1x16xf32>
    tpu.vector_store %arg5[%swap3A_398, %swap3A_399], %swap3A_402 {strides = array<i32>} : memref<8x256xf32, #tpu.memory_space<vmem>>, vector<1x16xf32>,
    %swap3A_403 = arith.constant 4 : i32
    %swap3A_404 = arith.index_cast %swap3A_403 : i32 to index
    %swap3A_405 = arith.constant 48 : index
    %swap3A_406 = tpu.vector_load %arg5[%swap3A_404, %swap3A_405] {strides = array<i32>} : memref<8x256xf32, #tpu.memory_space<vmem>>, vector<1x16xf32>,
    %swap3A_407 = vector.shape_cast %swap3A_406 : vector<1x16xf32> to vector<16xf32>
    %swap3A_408 = vector.shape_cast %broadcast_in_dim3A_1 : vector<16xf32> to vector<1x16xf32>
    tpu.vector_store %arg5[%swap3A_404, %swap3A_405], %swap3A_408 {strides = array<i32>} : memref<8x256xf32, #tpu.memory_space<vmem>>, vector<1x16xf32>,
    %swap3A_409 = arith.constant 4 : i32
    %swap3A_410 = arith.index_cast %swap3A_409 : i32 to index
    %swap3A_411 = arith.constant 64 : index
    %swap3A_412 = tpu.vector_load %arg5[%swap3A_410, %swap3A_411] {strides = array<i32>} : memref<8x256xf32, #tpu.memory_space<vmem>>, vector<1x16xf32>,
    %swap3A_413 = vector.shape_cast %swap3A_412 : vector<1x16xf32> to vector<16xf32>
    %swap3A_414 = vector.shape_cast %broadcast_in_dim3A_1 : vector<16xf32> to vector<1x16xf32>
    tpu.vector_store %arg5[%swap3A_410, %swap3A_411], %swap3A_414 {strides = array<i32>} : memref<8x256xf32, #tpu.memory_space<vmem>>, vector<1x16xf32>,
    %swap3A_415 = arith.constant 4 : i32
    %swap3A_416 = arith.index_cast %swap3A_415 : i32 to index
    %swap3A_417 = arith.constant 80 : index
    %swap3A_418 = tpu.vector_load %arg5[%swap3A_416, %swap3A_417] {strides = array<i32>} : memref<8x256xf32, #tpu.memory_space<vmem>>, vector<1x16xf32>,
    %swap3A_419 = vector.shape_cast %swap3A_418 : vector<1x16xf32> to vector<16xf32>
    %swap3A_420 = vector.shape_cast %broadcast_in_dim3A_1 : vector<16xf32> to vector<1x16xf32>
    tpu.vector_store %arg5[%swap3A_416, %swap3A_417], %swap3A_420 {strides = array<i32>} : memref<8x256xf32, #tpu.memory_space<vmem>>, vector<1x16xf32>,
    %swap3A_421 = arith.constant 4 : i32
    %swap3A_422 = arith.index_cast %swap3A_421 : i32 to index
    %swap3A_423 = arith.constant 96 : index
    %swap3A_424 = tpu.vector_load %arg5[%swap3A_422, %swap3A_423] {strides = array<i32>} : memref<8x256xf32, #tpu.memory_space<vmem>>, vector<1x16xf32>,
    %swap3A_425 = vector.shape_cast %swap3A_424 : vector<1x16xf32> to vector<16xf32>
    %swap3A_426 = vector.shape_cast %broadcast_in_dim3A_1 : vector<16xf32> to vector<1x16xf32>
    tpu.vector_store %arg5[%swap3A_422, %swap3A_423], %swap3A_426 {strides = array<i32>} : memref<8x256xf32, #tpu.memory_space<vmem>>, vector<1x16xf32>,
    %swap3A_427 = arith.constant 4 : i32
    %swap3A_428 = arith.index_cast %swap3A_427 : i32 to index
    %swap3A_429 = arith.constant 112 : index
    %swap3A_430 = tpu.vector_load %arg5[%swap3A_428, %swap3A_429] {strides = array<i32>} : memref<8x256xf32, #tpu.memory_space<vmem>>, vector<1x16xf32>,
    %swap3A_431 = vector.shape_cast %swap3A_430 : vector<1x16xf32> to vector<16xf32>
    %swap3A_432 = vector.shape_cast %broadcast_in_dim3A_1 : vector<16xf32> to vector<1x16xf32>
    tpu.vector_store %arg5[%swap3A_428, %swap3A_429], %swap3A_432 {strides = array<i32>} : memref<8x256xf32, #tpu.memory_space<vmem>>, vector<1x16xf32>,
    %swap3A_433 = arith.constant 4 : i32
    %swap3A_434 = arith.index_cast %swap3A_433 : i32 to index
    %swap3A_435 = arith.constant 128 : index
    %swap3A_436 = tpu.vector_load %arg5[%swap3A_434, %swap3A_435] {strides = array<i32>} : memref<8x256xf32, #tpu.memory_space<vmem>>, vector<1x16xf32>,
    %swap3A_437 = vector.shape_cast %swap3A_436 : vector<1x16xf32> to vector<16xf32>
    %swap3A_438 = vector.shape_cast %broadcast_in_dim3A_1 : vector<16xf32> to vector<1x16xf32>
    tpu.vector_store %arg5[%swap3A_434, %swap3A_435], %swap3A_438 {strides = array<i32>} : memref<8x256xf32, #tpu.memory_space<vmem>>, vector<1x16xf32>,
    %swap3A_439 = arith.constant 4 : i32
    %swap3A_440 = arith.index_cast %swap3A_439 : i32 to index
    %swap3A_441 = arith.constant 144 : index
    %swap3A_442 = tpu.vector_load %arg5[%swap3A_440, %swap3A_441] {strides = array<i32>} : memref<8x256xf32, #tpu.memory_space<vmem>>, vector<1x16xf32>,
    %swap3A_443 = vector.shape_cast %swap3A_442 : vector<1x16xf32> to vector<16xf32>
    %swap3A_444 = vector.shape_cast %broadcast_in_dim3A_1 : vector<16xf32> to vector<1x16xf32>
    tpu.vector_store %arg5[%swap3A_440, %swap3A_441], %swap3A_444 {strides = array<i32>} : memref<8x256xf32, #tpu.memory_space<vmem>>, vector<1x16xf32>,
    %swap3A_445 = arith.constant 4 : i32
    %swap3A_446 = arith.index_cast %swap3A_445 : i32 to index
    %swap3A_447 = arith.constant 160 : index
    %swap3A_448 = tpu.vector_load %arg5[%swap3A_446, %swap3A_447] {strides = array<i32>} : memref<8x256xf32, #tpu.memory_space<vmem>>, vector<1x16xf32>,
    %swap3A_449 = vector.shape_cast %swap3A_448 : vector<1x16xf32> to vector<16xf32>
    %swap3A_450 = vector.shape_cast %broadcast_in_dim3A_1 : vector<16xf32> to vector<1x16xf32>
    tpu.vector_store %arg5[%swap3A_446, %swap3A_447], %swap3A_450 {strides = array<i32>} : memref<8x256xf32, #tpu.memory_space<vmem>>, vector<1x16xf32>,
    %swap3A_451 = arith.constant 4 : i32
    %swap3A_452 = arith.index_cast %swap3A_451 : i32 to index
    %swap3A_453 = arith.constant 176 : index
    %swap3A_454 = tpu.vector_load %arg5[%swap3A_452, %swap3A_453] {strides = array<i32>} : memref<8x256xf32, #tpu.memory_space<vmem>>, vector<1x16xf32>,
    %swap3A_455 = vector.shape_cast %swap3A_454 : vector<1x16xf32> to vector<16xf32>
    %swap3A_456 = vector.shape_cast %broadcast_in_dim3A_1 : vector<16xf32> to vector<1x16xf32>
    tpu.vector_store %arg5[%swap3A_452, %swap3A_453], %swap3A_456 {strides = array<i32>} : memref<8x256xf32, #tpu.memory_space<vmem>>, vector<1x16xf32>,
    %swap3A_457 = arith.constant 4 : i32
    %swap3A_458 = arith.index_cast %swap3A_457 : i32 to index
    %swap3A_459 = arith.constant 192 : index
    %swap3A_460 = tpu.vector_load %arg5[%swap3A_458, %swap3A_459] {strides = array<i32>} : memref<8x256xf32, #tpu.memory_space<vmem>>, vector<1x16xf32>,
    %swap3A_461 = vector.shape_cast %swap3A_460 : vector<1x16xf32> to vector<16xf32>
    %swap3A_462 = vector.shape_cast %broadcast_in_dim3A_1 : vector<16xf32> to vector<1x16xf32>
    tpu.vector_store %arg5[%swap3A_458, %swap3A_459], %swap3A_462 {strides = array<i32>} : memref<8x256xf32, #tpu.memory_space<vmem>>, vector<1x16xf32>,
    %swap3A_463 = arith.constant 4 : i32
    %swap3A_464 = arith.index_cast %swap3A_463 : i32 to index
    %swap3A_465 = arith.constant 208 : index
    %swap3A_466 = tpu.vector_load %arg5[%swap3A_464, %swap3A_465] {strides = array<i32>} : memref<8x256xf32, #tpu.memory_space<vmem>>, vector<1x16xf32>,
    %swap3A_467 = vector.shape_cast %swap3A_466 : vector<1x16xf32> to vector<16xf32>
    %swap3A_468 = vector.shape_cast %broadcast_in_dim3A_1 : vector<16xf32> to vector<1x16xf32>
    tpu.vector_store %arg5[%swap3A_464, %swap3A_465], %swap3A_468 {strides = array<i32>} : memref<8x256xf32, #tpu.memory_space<vmem>>, vector<1x16xf32>,
    %swap3A_469 = arith.constant 4 : i32
    %swap3A_470 = arith.index_cast %swap3A_469 : i32 to index
    %swap3A_471 = arith.constant 224 : index
    %swap3A_472 = tpu.vector_load %arg5[%swap3A_470, %swap3A_471] {strides = array<i32>} : memref<8x256xf32, #tpu.memory_space<vmem>>, vector<1x16xf32>,
    %swap3A_473 = vector.shape_cast %swap3A_472 : vector<1x16xf32> to vector<16xf32>
    %swap3A_474 = vector.shape_cast %broadcast_in_dim3A_1 : vector<16xf32> to vector<1x16xf32>
    tpu.vector_store %arg5[%swap3A_470, %swap3A_471], %swap3A_474 {strides = array<i32>} : memref<8x256xf32, #tpu.memory_space<vmem>>, vector<1x16xf32>,
    %swap3A_475 = arith.constant 4 : i32
    %swap3A_476 = arith.index_cast %swap3A_475 : i32 to index
    %swap3A_477 = arith.constant 240 : index
    %swap3A_478 = tpu.vector_load %arg5[%swap3A_476, %swap3A_477] {strides = array<i32>} : memref<8x256xf32, #tpu.memory_space<vmem>>, vector<1x16xf32>,
    %swap3A_479 = vector.shape_cast %swap3A_478 : vector<1x16xf32> to vector<16xf32>
    %swap3A_480 = vector.shape_cast %broadcast_in_dim3A_1 : vector<16xf32> to vector<1x16xf32>
    tpu.vector_store %arg5[%swap3A_476, %swap3A_477], %swap3A_480 {strides = array<i32>} : memref<8x256xf32, #tpu.memory_space<vmem>>, vector<1x16xf32>,
    %swap3A_481 = arith.constant 5 : i32
    %swap3A_482 = arith.index_cast %swap3A_481 : i32 to index
    %swap3A_483 = arith.constant 0 : index
    %swap3A_484 = tpu.vector_load %arg5[%swap3A_482, %swap3A_483] {strides = array<i32>} : memref<8x256xf32, #tpu.memory_space<vmem>>, vector<1x16xf32>,
    %swap3A_485 = vector.shape_cast %swap3A_484 : vector<1x16xf32> to vector<16xf32>
    %swap3A_486 = vector.shape_cast %broadcast_in_dim3A_1 : vector<16xf32> to vector<1x16xf32>
    tpu.vector_store %arg5[%swap3A_482, %swap3A_483], %swap3A_486 {strides = array<i32>} : memref<8x256xf32, #tpu.memory_space<vmem>>, vector<1x16xf32>,
    %swap3A_487 = arith.constant 5 : i32
    %swap3A_488 = arith.index_cast %swap3A_487 : i32 to index
    %swap3A_489 = arith.constant 16 : index
    %swap3A_490 = tpu.vector_load %arg5[%swap3A_488, %swap3A_489] {strides = array<i32>} : memref<8x256xf32, #tpu.memory_space<vmem>>, vector<1x16xf32>,
    %swap3A_491 = vector.shape_cast %swap3A_490 : vector<1x16xf32> to vector<16xf32>
    %swap3A_492 = vector.shape_cast %broadcast_in_dim3A_1 : vector<16xf32> to vector<1x16xf32>
    tpu.vector_store %arg5[%swap3A_488, %swap3A_489], %swap3A_492 {strides = array<i32>} : memref<8x256xf32, #tpu.memory_space<vmem>>, vector<1x16xf32>,
    %swap3A_493 = arith.constant 5 : i32
    %swap3A_494 = arith.index_cast %swap3A_493 : i32 to index
    %swap3A_495 = arith.constant 32 : index
    %swap3A_496 = tpu.vector_load %arg5[%swap3A_494, %swap3A_495] {strides = array<i32>} : memref<8x256xf32, #tpu.memory_space<vmem>>, vector<1x16xf32>,
    %swap3A_497 = vector.shape_cast %swap3A_496 : vector<1x16xf32> to vector<16xf32>
    %swap3A_498 = vector.shape_cast %broadcast_in_dim3A_1 : vector<16xf32> to vector<1x16xf32>
    tpu.vector_store %arg5[%swap3A_494, %swap3A_495], %swap3A_498 {strides = array<i32>} : memref<8x256xf32, #tpu.memory_space<vmem>>, vector<1x16xf32>,
    %swap3A_499 = arith.constant 5 : i32
    %swap3A_500 = arith.index_cast %swap3A_499 : i32 to index
    %swap3A_501 = arith.constant 48 : index
    %swap3A_502 = tpu.vector_load %arg5[%swap3A_500, %swap3A_501] {strides = array<i32>} : memref<8x256xf32, #tpu.memory_space<vmem>>, vector<1x16xf32>,
    %swap3A_503 = vector.shape_cast %swap3A_502 : vector<1x16xf32> to vector<16xf32>
    %swap3A_504 = vector.shape_cast %broadcast_in_dim3A_1 : vector<16xf32> to vector<1x16xf32>
    tpu.vector_store %arg5[%swap3A_500, %swap3A_501], %swap3A_504 {strides = array<i32>} : memref<8x256xf32, #tpu.memory_space<vmem>>, vector<1x16xf32>,
    %swap3A_505 = arith.constant 5 : i32
    %swap3A_506 = arith.index_cast %swap3A_505 : i32 to index
    %swap3A_507 = arith.constant 64 : index
    %swap3A_508 = tpu.vector_load %arg5[%swap3A_506, %swap3A_507] {strides = array<i32>} : memref<8x256xf32, #tpu.memory_space<vmem>>, vector<1x16xf32>,
    %swap3A_509 = vector.shape_cast %swap3A_508 : vector<1x16xf32> to vector<16xf32>
    %swap3A_510 = vector.shape_cast %broadcast_in_dim3A_1 : vector<16xf32> to vector<1x16xf32>
    tpu.vector_store %arg5[%swap3A_506, %swap3A_507], %swap3A_510 {strides = array<i32>} : memref<8x256xf32, #tpu.memory_space<vmem>>, vector<1x16xf32>,
    %swap3A_511 = arith.constant 5 : i32
    %swap3A_512 = arith.index_cast %swap3A_511 : i32 to index
    %swap3A_513 = arith.constant 80 : index
    %swap3A_514 = tpu.vector_load %arg5[%swap3A_512, %swap3A_513] {strides = array<i32>} : memref<8x256xf32, #tpu.memory_space<vmem>>, vector<1x16xf32>,
    %swap3A_515 = vector.shape_cast %swap3A_514 : vector<1x16xf32> to vector<16xf32>
    %swap3A_516 = vector.shape_cast %broadcast_in_dim3A_1 : vector<16xf32> to vector<1x16xf32>
    tpu.vector_store %arg5[%swap3A_512, %swap3A_513], %swap3A_516 {strides = array<i32>} : memref<8x256xf32, #tpu.memory_space<vmem>>, vector<1x16xf32>,
    %swap3A_517 = arith.constant 5 : i32
    %swap3A_518 = arith.index_cast %swap3A_517 : i32 to index
    %swap3A_519 = arith.constant 96 : index
    %swap3A_520 = tpu.vector_load %arg5[%swap3A_518, %swap3A_519] {strides = array<i32>} : memref<8x256xf32, #tpu.memory_space<vmem>>, vector<1x16xf32>,
    %swap3A_521 = vector.shape_cast %swap3A_520 : vector<1x16xf32> to vector<16xf32>
    %swap3A_522 = vector.shape_cast %broadcast_in_dim3A_1 : vector<16xf32> to vector<1x16xf32>
    tpu.vector_store %arg5[%swap3A_518, %swap3A_519], %swap3A_522 {strides = array<i32>} : memref<8x256xf32, #tpu.memory_space<vmem>>, vector<1x16xf32>,
    %swap3A_523 = arith.constant 5 : i32
    %swap3A_524 = arith.index_cast %swap3A_523 : i32 to index
    %swap3A_525 = arith.constant 112 : index
    %swap3A_526 = tpu.vector_load %arg5[%swap3A_524, %swap3A_525] {strides = array<i32>} : memref<8x256xf32, #tpu.memory_space<vmem>>, vector<1x16xf32>,
    %swap3A_527 = vector.shape_cast %swap3A_526 : vector<1x16xf32> to vector<16xf32>
    %swap3A_528 = vector.shape_cast %broadcast_in_dim3A_1 : vector<16xf32> to vector<1x16xf32>
    tpu.vector_store %arg5[%swap3A_524, %swap3A_525], %swap3A_528 {strides = array<i32>} : memref<8x256xf32, #tpu.memory_space<vmem>>, vector<1x16xf32>,
    %swap3A_529 = arith.constant 5 : i32
    %swap3A_530 = arith.index_cast %swap3A_529 : i32 to index
    %swap3A_531 = arith.constant 128 : index
    %swap3A_532 = tpu.vector_load %arg5[%swap3A_530, %swap3A_531] {strides = array<i32>} : memref<8x256xf32, #tpu.memory_space<vmem>>, vector<1x16xf32>,
    %swap3A_533 = vector.shape_cast %swap3A_532 : vector<1x16xf32> to vector<16xf32>
    %swap3A_534 = vector.shape_cast %broadcast_in_dim3A_1 : vector<16xf32> to vector<1x16xf32>
    tpu.vector_store %arg5[%swap3A_530, %swap3A_531], %swap3A_534 {strides = array<i32>} : memref<8x256xf32, #tpu.memory_space<vmem>>, vector<1x16xf32>,
    %swap3A_535 = arith.constant 5 : i32
    %swap3A_536 = arith.index_cast %swap3A_535 : i32 to index
    %swap3A_537 = arith.constant 144 : index
    %swap3A_538 = tpu.vector_load %arg5[%swap3A_536, %swap3A_537] {strides = array<i32>} : memref<8x256xf32, #tpu.memory_space<vmem>>, vector<1x16xf32>,
    %swap3A_539 = vector.shape_cast %swap3A_538 : vector<1x16xf32> to vector<16xf32>
    %swap3A_540 = vector.shape_cast %broadcast_in_dim3A_1 : vector<16xf32> to vector<1x16xf32>
    tpu.vector_store %arg5[%swap3A_536, %swap3A_537], %swap3A_540 {strides = array<i32>} : memref<8x256xf32, #tpu.memory_space<vmem>>, vector<1x16xf32>,
    %swap3A_541 = arith.constant 5 : i32
    %swap3A_542 = arith.index_cast %swap3A_541 : i32 to index
    %swap3A_543 = arith.constant 160 : index
    %swap3A_544 = tpu.vector_load %arg5[%swap3A_542, %swap3A_543] {strides = array<i32>} : memref<8x256xf32, #tpu.memory_space<vmem>>, vector<1x16xf32>,
    %swap3A_545 = vector.shape_cast %swap3A_544 : vector<1x16xf32> to vector<16xf32>
    %swap3A_546 = vector.shape_cast %broadcast_in_dim3A_1 : vector<16xf32> to vector<1x16xf32>
    tpu.vector_store %arg5[%swap3A_542, %swap3A_543], %swap3A_546 {strides = array<i32>} : memref<8x256xf32, #tpu.memory_space<vmem>>, vector<1x16xf32>,
    %swap3A_547 = arith.constant 5 : i32
    %swap3A_548 = arith.index_cast %swap3A_547 : i32 to index
    %swap3A_549 = arith.constant 176 : index
    %swap3A_550 = tpu.vector_load %arg5[%swap3A_548, %swap3A_549] {strides = array<i32>} : memref<8x256xf32, #tpu.memory_space<vmem>>, vector<1x16xf32>,
    %swap3A_551 = vector.shape_cast %swap3A_550 : vector<1x16xf32> to vector<16xf32>
    %swap3A_552 = vector.shape_cast %broadcast_in_dim3A_1 : vector<16xf32> to vector<1x16xf32>
    tpu.vector_store %arg5[%swap3A_548, %swap3A_549], %swap3A_552 {strides = array<i32>} : memref<8x256xf32, #tpu.memory_space<vmem>>, vector<1x16xf32>,
    %swap3A_553 = arith.constant 5 : i32
    %swap3A_554 = arith.index_cast %swap3A_553 : i32 to index
    %swap3A_555 = arith.constant 192 : index
    %swap3A_556 = tpu.vector_load %arg5[%swap3A_554, %swap3A_555] {strides = array<i32>} : memref<8x256xf32, #tpu.memory_space<vmem>>, vector<1x16xf32>,
    %swap3A_557 = vector.shape_cast %swap3A_556 : vector<1x16xf32> to vector<16xf32>
    %swap3A_558 = vector.shape_cast %broadcast_in_dim3A_1 : vector<16xf32> to vector<1x16xf32>
    tpu.vector_store %arg5[%swap3A_554, %swap3A_555], %swap3A_558 {strides = array<i32>} : memref<8x256xf32, #tpu.memory_space<vmem>>, vector<1x16xf32>,
    %swap3A_559 = arith.constant 5 : i32
    %swap3A_560 = arith.index_cast %swap3A_559 : i32 to index
    %swap3A_561 = arith.constant 208 : index
    %swap3A_562 = tpu.vector_load %arg5[%swap3A_560, %swap3A_561] {strides = array<i32>} : memref<8x256xf32, #tpu.memory_space<vmem>>, vector<1x16xf32>,
    %swap3A_563 = vector.shape_cast %swap3A_562 : vector<1x16xf32> to vector<16xf32>
    %swap3A_564 = vector.shape_cast %broadcast_in_dim3A_1 : vector<16xf32> to vector<1x16xf32>
    tpu.vector_store %arg5[%swap3A_560, %swap3A_561], %swap3A_564 {strides = array<i32>} : memref<8x256xf32, #tpu.memory_space<vmem>>, vector<1x16xf32>,
    %swap3A_565 = arith.constant 5 : i32
    %swap3A_566 = arith.index_cast %swap3A_565 : i32 to index
    %swap3A_567 = arith.constant 224 : index
    %swap3A_568 = tpu.vector_load %arg5[%swap3A_566, %swap3A_567] {strides = array<i32>} : memref<8x256xf32, #tpu.memory_space<vmem>>, vector<1x16xf32>,
    %swap3A_569 = vector.shape_cast %swap3A_568 : vector<1x16xf32> to vector<16xf32>
    %swap3A_570 = vector.shape_cast %broadcast_in_dim3A_1 : vector<16xf32> to vector<1x16xf32>
    tpu.vector_store %arg5[%swap3A_566, %swap3A_567], %swap3A_570 {strides = array<i32>} : memref<8x256xf32, #tpu.memory_space<vmem>>, vector<1x16xf32>,
    %swap3A_571 = arith.constant 5 : i32
    %swap3A_572 = arith.index_cast %swap3A_571 : i32 to index
    %swap3A_573 = arith.constant 240 : index
    %swap3A_574 = tpu.vector_load %arg5[%swap3A_572, %swap3A_573] {strides = array<i32>} : memref<8x256xf32, #tpu.memory_space<vmem>>, vector<1x16xf32>,
    %swap3A_575 = vector.shape_cast %swap3A_574 : vector<1x16xf32> to vector<16xf32>
    %swap3A_576 = vector.shape_cast %broadcast_in_dim3A_1 : vector<16xf32> to vector<1x16xf32>
    tpu.vector_store %arg5[%swap3A_572, %swap3A_573], %swap3A_576 {strides = array<i32>} : memref<8x256xf32, #tpu.memory_space<vmem>>, vector<1x16xf32>,
    %swap3A_577 = arith.constant 6 : i32
    %swap3A_578 = arith.index_cast %swap3A_577 : i32 to index
    %swap3A_579 = arith.constant 0 : index
    %swap3A_580 = tpu.vector_load %arg5[%swap3A_578, %swap3A_579] {strides = array<i32>} : memref<8x256xf32, #tpu.memory_space<vmem>>, vector<1x16xf32>,
    %swap3A_581 = vector.shape_cast %swap3A_580 : vector<1x16xf32> to vector<16xf32>
    %swap3A_582 = vector.shape_cast %broadcast_in_dim3A_1 : vector<16xf32> to vector<1x16xf32>
    tpu.vector_store %arg5[%swap3A_578, %swap3A_579], %swap3A_582 {strides = array<i32>} : memref<8x256xf32, #tpu.memory_space<vmem>>, vector<1x16xf32>,
    %swap3A_583 = arith.constant 6 : i32
    %swap3A_584 = arith.index_cast %swap3A_583 : i32 to index
    %swap3A_585 = arith.constant 16 : index
    %swap3A_586 = tpu.vector_load %arg5[%swap3A_584, %swap3A_585] {strides = array<i32>} : memref<8x256xf32, #tpu.memory_space<vmem>>, vector<1x16xf32>,
    %swap3A_587 = vector.shape_cast %swap3A_586 : vector<1x16xf32> to vector<16xf32>
    %swap3A_588 = vector.shape_cast %broadcast_in_dim3A_1 : vector<16xf32> to vector<1x16xf32>
    tpu.vector_store %arg5[%swap3A_584, %swap3A_585], %swap3A_588 {strides = array<i32>} : memref<8x256xf32, #tpu.memory_space<vmem>>, vector<1x16xf32>,
    %swap3A_589 = arith.constant 6 : i32
    %swap3A_590 = arith.index_cast %swap3A_589 : i32 to index
    %swap3A_591 = arith.constant 32 : index
    %swap3A_592 = tpu.vector_load %arg5[%swap3A_590, %swap3A_591] {strides = array<i32>} : memref<8x256xf32, #tpu.memory_space<vmem>>, vector<1x16xf32>,
    %swap3A_593 = vector.shape_cast %swap3A_592 : vector<1x16xf32> to vector<16xf32>
    %swap3A_594 = vector.shape_cast %broadcast_in_dim3A_1 : vector<16xf32> to vector<1x16xf32>
    tpu.vector_store %arg5[%swap3A_590, %swap3A_591], %swap3A_594 {strides = array<i32>} : memref<8x256xf32, #tpu.memory_space<vmem>>, vector<1x16xf32>,
    %swap3A_595 = arith.constant 6 : i32
    %swap3A_596 = arith.index_cast %swap3A_595 : i32 to index
    %swap3A_597 = arith.constant 48 : index
    %swap3A_598 = tpu.vector_load %arg5[%swap3A_596, %swap3A_597] {strides = array<i32>} : memref<8x256xf32, #tpu.memory_space<vmem>>, vector<1x16xf32>,
    %swap3A_599 = vector.shape_cast %swap3A_598 : vector<1x16xf32> to vector<16xf32>
    %swap3A_600 = vector.shape_cast %broadcast_in_dim3A_1 : vector<16xf32> to vector<1x16xf32>
    tpu.vector_store %arg5[%swap3A_596, %swap3A_597], %swap3A_600 {strides = array<i32>} : memref<8x256xf32, #tpu.memory_space<vmem>>, vector<1x16xf32>,
    %swap3A_601 = arith.constant 6 : i32
    %swap3A_602 = arith.index_cast %swap3A_601 : i32 to index
    %swap3A_603 = arith.constant 64 : index
    %swap3A_604 = tpu.vector_load %arg5[%swap3A_602, %swap3A_603] {strides = array<i32>} : memref<8x256xf32, #tpu.memory_space<vmem>>, vector<1x16xf32>,
    %swap3A_605 = vector.shape_cast %swap3A_604 : vector<1x16xf32> to vector<16xf32>
    %swap3A_606 = vector.shape_cast %broadcast_in_dim3A_1 : vector<16xf32> to vector<1x16xf32>
    tpu.vector_store %arg5[%swap3A_602, %swap3A_603], %swap3A_606 {strides = array<i32>} : memref<8x256xf32, #tpu.memory_space<vmem>>, vector<1x16xf32>,
    %swap3A_607 = arith.constant 6 : i32
    %swap3A_608 = arith.index_cast %swap3A_607 : i32 to index
    %swap3A_609 = arith.constant 80 : index
    %swap3A_610 = tpu.vector_load %arg5[%swap3A_608, %swap3A_609] {strides = array<i32>} : memref<8x256xf32, #tpu.memory_space<vmem>>, vector<1x16xf32>,
    %swap3A_611 = vector.shape_cast %swap3A_610 : vector<1x16xf32> to vector<16xf32>
    %swap3A_612 = vector.shape_cast %broadcast_in_dim3A_1 : vector<16xf32> to vector<1x16xf32>
    tpu.vector_store %arg5[%swap3A_608, %swap3A_609], %swap3A_612 {strides = array<i32>} : memref<8x256xf32, #tpu.memory_space<vmem>>, vector<1x16xf32>,
    %swap3A_613 = arith.constant 6 : i32
    %swap3A_614 = arith.index_cast %swap3A_613 : i32 to index
    %swap3A_615 = arith.constant 96 : index
    %swap3A_616 = tpu.vector_load %arg5[%swap3A_614, %swap3A_615] {strides = array<i32>} : memref<8x256xf32, #tpu.memory_space<vmem>>, vector<1x16xf32>,
    %swap3A_617 = vector.shape_cast %swap3A_616 : vector<1x16xf32> to vector<16xf32>
    %swap3A_618 = vector.shape_cast %broadcast_in_dim3A_1 : vector<16xf32> to vector<1x16xf32>
    tpu.vector_store %arg5[%swap3A_614, %swap3A_615], %swap3A_618 {strides = array<i32>} : memref<8x256xf32, #tpu.memory_space<vmem>>, vector<1x16xf32>,
    %swap3A_619 = arith.constant 6 : i32
    %swap3A_620 = arith.index_cast %swap3A_619 : i32 to index
    %swap3A_621 = arith.constant 112 : index
    %swap3A_622 = tpu.vector_load %arg5[%swap3A_620, %swap3A_621] {strides = array<i32>} : memref<8x256xf32, #tpu.memory_space<vmem>>, vector<1x16xf32>,
    %swap3A_623 = vector.shape_cast %swap3A_622 : vector<1x16xf32> to vector<16xf32>
    %swap3A_624 = vector.shape_cast %broadcast_in_dim3A_1 : vector<16xf32> to vector<1x16xf32>
    tpu.vector_store %arg5[%swap3A_620, %swap3A_621], %swap3A_624 {strides = array<i32>} : memref<8x256xf32, #tpu.memory_space<vmem>>, vector<1x16xf32>,
    %swap3A_625 = arith.constant 6 : i32
    %swap3A_626 = arith.index_cast %swap3A_625 : i32 to index
    %swap3A_627 = arith.constant 128 : index
    %swap3A_628 = tpu.vector_load %arg5[%swap3A_626, %swap3A_627] {strides = array<i32>} : memref<8x256xf32, #tpu.memory_space<vmem>>, vector<1x16xf32>,
    %swap3A_629 = vector.shape_cast %swap3A_628 : vector<1x16xf32> to vector<16xf32>
    %swap3A_630 = vector.shape_cast %broadcast_in_dim3A_1 : vector<16xf32> to vector<1x16xf32>
    tpu.vector_store %arg5[%swap3A_626, %swap3A_627], %swap3A_630 {strides = array<i32>} : memref<8x256xf32, #tpu.memory_space<vmem>>, vector<1x16xf32>,
    %swap3A_631 = arith.constant 6 : i32
    %swap3A_632 = arith.index_cast %swap3A_631 : i32 to index
    %swap3A_633 = arith.constant 144 : index
    %swap3A_634 = tpu.vector_load %arg5[%swap3A_632, %swap3A_633] {strides = array<i32>} : memref<8x256xf32, #tpu.memory_space<vmem>>, vector<1x16xf32>,
    %swap3A_635 = vector.shape_cast %swap3A_634 : vector<1x16xf32> to vector<16xf32>
    %swap3A_636 = vector.shape_cast %broadcast_in_dim3A_1 : vector<16xf32> to vector<1x16xf32>
    tpu.vector_store %arg5[%swap3A_632, %swap3A_633], %swap3A_636 {strides = array<i32>} : memref<8x256xf32, #tpu.memory_space<vmem>>, vector<1x16xf32>,
    %swap3A_637 = arith.constant 6 : i32
    %swap3A_638 = arith.index_cast %swap3A_637 : i32 to index
    %swap3A_639 = arith.constant 160 : index
    %swap3A_640 = tpu.vector_load %arg5[%swap3A_638, %swap3A_639] {strides = array<i32>} : memref<8x256xf32, #tpu.memory_space<vmem>>, vector<1x16xf32>,
    %swap3A_641 = vector.shape_cast %swap3A_640 : vector<1x16xf32> to vector<16xf32>
    %swap3A_642 = vector.shape_cast %broadcast_in_dim3A_1 : vector<16xf32> to vector<1x16xf32>
    tpu.vector_store %arg5[%swap3A_638, %swap3A_639], %swap3A_642 {strides = array<i32>} : memref<8x256xf32, #tpu.memory_space<vmem>>, vector<1x16xf32>,
    %swap3A_643 = arith.constant 6 : i32
    %swap3A_644 = arith.index_cast %swap3A_643 : i32 to index
    %swap3A_645 = arith.constant 176 : index
    %swap3A_646 = tpu.vector_load %arg5[%swap3A_644, %swap3A_645] {strides = array<i32>} : memref<8x256xf32, #tpu.memory_space<vmem>>, vector<1x16xf32>,
    %swap3A_647 = vector.shape_cast %swap3A_646 : vector<1x16xf32> to vector<16xf32>
    %swap3A_648 = vector.shape_cast %broadcast_in_dim3A_1 : vector<16xf32> to vector<1x16xf32>
    tpu.vector_store %arg5[%swap3A_644, %swap3A_645], %swap3A_648 {strides = array<i32>} : memref<8x256xf32, #tpu.memory_space<vmem>>, vector<1x16xf32>,
    %swap3A_649 = arith.constant 6 : i32
    %swap3A_650 = arith.index_cast %swap3A_649 : i32 to index
    %swap3A_651 = arith.constant 192 : index
    %swap3A_652 = tpu.vector_load %arg5[%swap3A_650, %swap3A_651] {strides = array<i32>} : memref<8x256xf32, #tpu.memory_space<vmem>>, vector<1x16xf32>,
    %swap3A_653 = vector.shape_cast %swap3A_652 : vector<1x16xf32> to vector<16xf32>
    %swap3A_654 = vector.shape_cast %broadcast_in_dim3A_1 : vector<16xf32> to vector<1x16xf32>
    tpu.vector_store %arg5[%swap3A_650, %swap3A_651], %swap3A_654 {strides = array<i32>} : memref<8x256xf32, #tpu.memory_space<vmem>>, vector<1x16xf32>,
    %swap3A_655 = arith.constant 6 : i32
    %swap3A_656 = arith.index_cast %swap3A_655 : i32 to index
    %swap3A_657 = arith.constant 208 : index
    %swap3A_658 = tpu.vector_load %arg5[%swap3A_656, %swap3A_657] {strides = array<i32>} : memref<8x256xf32, #tpu.memory_space<vmem>>, vector<1x16xf32>,
    %swap3A_659 = vector.shape_cast %swap3A_658 : vector<1x16xf32> to vector<16xf32>
    %swap3A_660 = vector.shape_cast %broadcast_in_dim3A_1 : vector<16xf32> to vector<1x16xf32>
    tpu.vector_store %arg5[%swap3A_656, %swap3A_657], %swap3A_660 {strides = array<i32>} : memref<8x256xf32, #tpu.memory_space<vmem>>, vector<1x16xf32>,
    %swap3A_661 = arith.constant 6 : i32
    %swap3A_662 = arith.index_cast %swap3A_661 : i32 to index
    %swap3A_663 = arith.constant 224 : index
    %swap3A_664 = tpu.vector_load %arg5[%swap3A_662, %swap3A_663] {strides = array<i32>} : memref<8x256xf32, #tpu.memory_space<vmem>>, vector<1x16xf32>,
    %swap3A_665 = vector.shape_cast %swap3A_664 : vector<1x16xf32> to vector<16xf32>
    %swap3A_666 = vector.shape_cast %broadcast_in_dim3A_1 : vector<16xf32> to vector<1x16xf32>
    tpu.vector_store %arg5[%swap3A_662, %swap3A_663], %swap3A_666 {strides = array<i32>} : memref<8x256xf32, #tpu.memory_space<vmem>>, vector<1x16xf32>,
    %swap3A_667 = arith.constant 6 : i32
    %swap3A_668 = arith.index_cast %swap3A_667 : i32 to index
    %swap3A_669 = arith.constant 240 : index
    %swap3A_670 = tpu.vector_load %arg5[%swap3A_668, %swap3A_669] {strides = array<i32>} : memref<8x256xf32, #tpu.memory_space<vmem>>, vector<1x16xf32>,
    %swap3A_671 = vector.shape_cast %swap3A_670 : vector<1x16xf32> to vector<16xf32>
    %swap3A_672 = vector.shape_cast %broadcast_in_dim3A_1 : vector<16xf32> to vector<1x16xf32>
    tpu.vector_store %arg5[%swap3A_668, %swap3A_669], %swap3A_672 {strides = array<i32>} : memref<8x256xf32, #tpu.memory_space<vmem>>, vector<1x16xf32>,
    %swap3A_673 = arith.constant 7 : i32
    %swap3A_674 = arith.index_cast %swap3A_673 : i32 to index
    %swap3A_675 = arith.constant 0 : index
    %swap3A_676 = tpu.vector_load %arg5[%swap3A_674, %swap3A_675] {strides = array<i32>} : memref<8x256xf32, #tpu.memory_space<vmem>>, vector<1x16xf32>,
    %swap3A_677 = vector.shape_cast %swap3A_676 : vector<1x16xf32> to vector<16xf32>
    %swap3A_678 = vector.shape_cast %broadcast_in_dim3A_1 : vector<16xf32> to vector<1x16xf32>
    tpu.vector_store %arg5[%swap3A_674, %swap3A_675], %swap3A_678 {strides = array<i32>} : memref<8x256xf32, #tpu.memory_space<vmem>>, vector<1x16xf32>,
    %swap3A_679 = arith.constant 7 : i32
    %swap3A_680 = arith.index_cast %swap3A_679 : i32 to index
    %swap3A_681 = arith.constant 16 : index
    %swap3A_682 = tpu.vector_load %arg5[%swap3A_680, %swap3A_681] {strides = array<i32>} : memref<8x256xf32, #tpu.memory_space<vmem>>, vector<1x16xf32>,
    %swap3A_683 = vector.shape_cast %swap3A_682 : vector<1x16xf32> to vector<16xf32>
    %swap3A_684 = vector.shape_cast %broadcast_in_dim3A_1 : vector<16xf32> to vector<1x16xf32>
    tpu.vector_store %arg5[%swap3A_680, %swap3A_681], %swap3A_684 {strides = array<i32>} : memref<8x256xf32, #tpu.memory_space<vmem>>, vector<1x16xf32>,
    %swap3A_685 = arith.constant 7 : i32
    %swap3A_686 = arith.index_cast %swap3A_685 : i32 to index
    %swap3A_687 = arith.constant 32 : index
    %swap3A_688 = tpu.vector_load %arg5[%swap3A_686, %swap3A_687] {strides = array<i32>} : memref<8x256xf32, #tpu.memory_space<vmem>>, vector<1x16xf32>,
    %swap3A_689 = vector.shape_cast %swap3A_688 : vector<1x16xf32> to vector<16xf32>
    %swap3A_690 = vector.shape_cast %broadcast_in_dim3A_1 : vector<16xf32> to vector<1x16xf32>
    tpu.vector_store %arg5[%swap3A_686, %swap3A_687], %swap3A_690 {strides = array<i32>} : memref<8x256xf32, #tpu.memory_space<vmem>>, vector<1x16xf32>,
    %swap3A_691 = arith.constant 7 : i32
    %swap3A_692 = arith.index_cast %swap3A_691 : i32 to index
    %swap3A_693 = arith.constant 48 : index
    %swap3A_694 = tpu.vector_load %arg5[%swap3A_692, %swap3A_693] {strides = array<i32>} : memref<8x256xf32, #tpu.memory_space<vmem>>, vector<1x16xf32>,
    %swap3A_695 = vector.shape_cast %swap3A_694 : vector<1x16xf32> to vector<16xf32>
    %swap3A_696 = vector.shape_cast %broadcast_in_dim3A_1 : vector<16xf32> to vector<1x16xf32>
    tpu.vector_store %arg5[%swap3A_692, %swap3A_693], %swap3A_696 {strides = array<i32>} : memref<8x256xf32, #tpu.memory_space<vmem>>, vector<1x16xf32>,
    %swap3A_697 = arith.constant 7 : i32
    %swap3A_698 = arith.index_cast %swap3A_697 : i32 to index
    %swap3A_699 = arith.constant 64 : index
    %swap3A_700 = tpu.vector_load %arg5[%swap3A_698, %swap3A_699] {strides = array<i32>} : memref<8x256xf32, #tpu.memory_space<vmem>>, vector<1x16xf32>,
    %swap3A_701 = vector.shape_cast %swap3A_700 : vector<1x16xf32> to vector<16xf32>
    %swap3A_702 = vector.shape_cast %broadcast_in_dim3A_1 : vector<16xf32> to vector<1x16xf32>
    tpu.vector_store %arg5[%swap3A_698, %swap3A_699], %swap3A_702 {strides = array<i32>} : memref<8x256xf32, #tpu.memory_space<vmem>>, vector<1x16xf32>,
    %swap3A_703 = arith.constant 7 : i32
    %swap3A_704 = arith.index_cast %swap3A_703 : i32 to index
    %swap3A_705 = arith.constant 80 : index
    %swap3A_706 = tpu.vector_load %arg5[%swap3A_704, %swap3A_705] {strides = array<i32>} : memref<8x256xf32, #tpu.memory_space<vmem>>, vector<1x16xf32>,
    %swap3A_707 = vector.shape_cast %swap3A_706 : vector<1x16xf32> to vector<16xf32>
    %swap3A_708 = vector.shape_cast %broadcast_in_dim3A_1 : vector<16xf32> to vector<1x16xf32>
    tpu.vector_store %arg5[%swap3A_704, %swap3A_705], %swap3A_708 {strides = array<i32>} : memref<8x256xf32, #tpu.memory_space<vmem>>, vector<1x16xf32>,
    %swap3A_709 = arith.constant 7 : i32
    %swap3A_710 = arith.index_cast %swap3A_709 : i32 to index
    %swap3A_711 = arith.constant 96 : index
    %swap3A_712 = tpu.vector_load %arg5[%swap3A_710, %swap3A_711] {strides = array<i32>} : memref<8x256xf32, #tpu.memory_space<vmem>>, vector<1x16xf32>,
    %swap3A_713 = vector.shape_cast %swap3A_712 : vector<1x16xf32> to vector<16xf32>
    %swap3A_714 = vector.shape_cast %broadcast_in_dim3A_1 : vector<16xf32> to vector<1x16xf32>
    tpu.vector_store %arg5[%swap3A_710, %swap3A_711], %swap3A_714 {strides = array<i32>} : memref<8x256xf32, #tpu.memory_space<vmem>>, vector<1x16xf32>,
    %swap3A_715 = arith.constant 7 : i32
    %swap3A_716 = arith.index_cast %swap3A_715 : i32 to index
    %swap3A_717 = arith.constant 112 : index
    %swap3A_718 = tpu.vector_load %arg5[%swap3A_716, %swap3A_717] {strides = array<i32>} : memref<8x256xf32, #tpu.memory_space<vmem>>, vector<1x16xf32>,
    %swap3A_719 = vector.shape_cast %swap3A_718 : vector<1x16xf32> to vector<16xf32>
    %swap3A_720 = vector.shape_cast %broadcast_in_dim3A_1 : vector<16xf32> to vector<1x16xf32>
    tpu.vector_store %arg5[%swap3A_716, %swap3A_717], %swap3A_720 {strides = array<i32>} : memref<8x256xf32, #tpu.memory_space<vmem>>, vector<1x16xf32>,
    %swap3A_721 = arith.constant 7 : i32
    %swap3A_722 = arith.index_cast %swap3A_721 : i32 to index
    %swap3A_723 = arith.constant 128 : index
    %swap3A_724 = tpu.vector_load %arg5[%swap3A_722, %swap3A_723] {strides = array<i32>} : memref<8x256xf32, #tpu.memory_space<vmem>>, vector<1x16xf32>,
    %swap3A_725 = vector.shape_cast %swap3A_724 : vector<1x16xf32> to vector<16xf32>
    %swap3A_726 = vector.shape_cast %broadcast_in_dim3A_1 : vector<16xf32> to vector<1x16xf32>
    tpu.vector_store %arg5[%swap3A_722, %swap3A_723], %swap3A_726 {strides = array<i32>} : memref<8x256xf32, #tpu.memory_space<vmem>>, vector<1x16xf32>,
    %swap3A_727 = arith.constant 7 : i32
    %swap3A_728 = arith.index_cast %swap3A_727 : i32 to index
    %swap3A_729 = arith.constant 144 : index
    %swap3A_730 = tpu.vector_load %arg5[%swap3A_728, %swap3A_729] {strides = array<i32>} : memref<8x256xf32, #tpu.memory_space<vmem>>, vector<1x16xf32>,
    %swap3A_731 = vector.shape_cast %swap3A_730 : vector<1x16xf32> to vector<16xf32>
    %swap3A_732 = vector.shape_cast %broadcast_in_dim3A_1 : vector<16xf32> to vector<1x16xf32>
    tpu.vector_store %arg5[%swap3A_728, %swap3A_729], %swap3A_732 {strides = array<i32>} : memref<8x256xf32, #tpu.memory_space<vmem>>, vector<1x16xf32>,
    %swap3A_733 = arith.constant 7 : i32
    %swap3A_734 = arith.index_cast %swap3A_733 : i32 to index
    %swap3A_735 = arith.constant 160 : index
    %swap3A_736 = tpu.vector_load %arg5[%swap3A_734, %swap3A_735] {strides = array<i32>} : memref<8x256xf32, #tpu.memory_space<vmem>>, vector<1x16xf32>,
    %swap3A_737 = vector.shape_cast %swap3A_736 : vector<1x16xf32> to vector<16xf32>
    %swap3A_738 = vector.shape_cast %broadcast_in_dim3A_1 : vector<16xf32> to vector<1x16xf32>
    tpu.vector_store %arg5[%swap3A_734, %swap3A_735], %swap3A_738 {strides = array<i32>} : memref<8x256xf32, #tpu.memory_space<vmem>>, vector<1x16xf32>,
    %swap3A_739 = arith.constant 7 : i32
    %swap3A_740 = arith.index_cast %swap3A_739 : i32 to index
    %swap3A_741 = arith.constant 176 : index
    %swap3A_742 = tpu.vector_load %arg5[%swap3A_740, %swap3A_741] {strides = array<i32>} : memref<8x256xf32, #tpu.memory_space<vmem>>, vector<1x16xf32>,
    %swap3A_743 = vector.shape_cast %swap3A_742 : vector<1x16xf32> to vector<16xf32>
    %swap3A_744 = vector.shape_cast %broadcast_in_dim3A_1 : vector<16xf32> to vector<1x16xf32>
    tpu.vector_store %arg5[%swap3A_740, %swap3A_741], %swap3A_744 {strides = array<i32>} : memref<8x256xf32, #tpu.memory_space<vmem>>, vector<1x16xf32>,
    %swap3A_745 = arith.constant 7 : i32
    %swap3A_746 = arith.index_cast %swap3A_745 : i32 to index
    %swap3A_747 = arith.constant 192 : index
    %swap3A_748 = tpu.vector_load %arg5[%swap3A_746, %swap3A_747] {strides = array<i32>} : memref<8x256xf32, #tpu.memory_space<vmem>>, vector<1x16xf32>,
    %swap3A_749 = vector.shape_cast %swap3A_748 : vector<1x16xf32> to vector<16xf32>
    %swap3A_750 = vector.shape_cast %broadcast_in_dim3A_1 : vector<16xf32> to vector<1x16xf32>
    tpu.vector_store %arg5[%swap3A_746, %swap3A_747], %swap3A_750 {strides = array<i32>} : memref<8x256xf32, #tpu.memory_space<vmem>>, vector<1x16xf32>,
    %swap3A_751 = arith.constant 7 : i32
    %swap3A_752 = arith.index_cast %swap3A_751 : i32 to index
    %swap3A_753 = arith.constant 208 : index
    %swap3A_754 = tpu.vector_load %arg5[%swap3A_752, %swap3A_753] {strides = array<i32>} : memref<8x256xf32, #tpu.memory_space<vmem>>, vector<1x16xf32>,
    %swap3A_755 = vector.shape_cast %swap3A_754 : vector<1x16xf32> to vector<16xf32>
    %swap3A_756 = vector.shape_cast %broadcast_in_dim3A_1 : vector<16xf32> to vector<1x16xf32>
    tpu.vector_store %arg5[%swap3A_752, %swap3A_753], %swap3A_756 {strides = array<i32>} : memref<8x256xf32, #tpu.memory_space<vmem>>, vector<1x16xf32>,
    %swap3A_757 = arith.constant 7 : i32
    %swap3A_758 = arith.index_cast %swap3A_757 : i32 to index
    %swap3A_759 = arith.constant 224 : index
    %swap3A_760 = tpu.vector_load %arg5[%swap3A_758, %swap3A_759] {strides = array<i32>} : memref<8x256xf32, #tpu.memory_space<vmem>>, vector<1x16xf32>,
    %swap3A_761 = vector.shape_cast %swap3A_760 : vector<1x16xf32> to vector<16xf32>
    %swap3A_762 = vector.shape_cast %broadcast_in_dim3A_1 : vector<16xf32> to vector<1x16xf32>
    tpu.vector_store %arg5[%swap3A_758, %swap3A_759], %swap3A_762 {strides = array<i32>} : memref<8x256xf32, #tpu.memory_space<vmem>>, vector<1x16xf32>,
    %swap3A_763 = arith.constant 7 : i32
    %swap3A_764 = arith.index_cast %swap3A_763 : i32 to index
    %swap3A_765 = arith.constant 240 : index
    %swap3A_766 = tpu.vector_load %arg5[%swap3A_764, %swap3A_765] {strides = array<i32>} : memref<8x256xf32, #tpu.memory_space<vmem>>, vector<1x16xf32>,
    %swap3A_767 = vector.shape_cast %swap3A_766 : vector<1x16xf32> to vector<16xf32>
    %swap3A_768 = vector.shape_cast %broadcast_in_dim3A_1 : vector<16xf32> to vector<1x16xf32>
    tpu.vector_store %arg5[%swap3A_764, %swap3A_765], %swap3A_768 {strides = array<i32>} : memref<8x256xf32, #tpu.memory_space<vmem>>, vector<1x16xf32>,
    %iota3A = tpu.iota {dimensions = array<i32: 0>} : vector<16xi32>
    %convert_element_type3A = arith.sitofp %iota3A : vector<16xi32> to vector<16xf32>
    %convert_element_type3A_769 = arith.sitofp %add3A : i32 to f32
    %add3A_770 = arith.constant -6.400000e+01 : f32
    %add3A_771 = arith.addf %convert_element_type3A_769, %add3A_770 : f32
    %add3A_772 = arith.constant -6.400000e+01 : f32
    %add3A_773 = arith.addf %convert_element_type3A_769, %add3A_772 : f32
    %mul3A_774 = arith.mulf %add3A_771, %add3A_773 : f32
    %add3A_775 = arith.constant -3.200000e+01 : f32
    %add3A_776 = arith.addf %convert_element_type3A_769, %add3A_775 : f32
    %add3A_777 = arith.constant -3.200000e+01 : f32
    %add3A_778 = arith.addf %convert_element_type3A_769, %add3A_777 : f32
    %mul3A_779 = arith.mulf %add3A_776, %add3A_778 : f32
    %add3A_780 = arith.constant 0.000000e+00 : f32
    %add3A_781 = arith.addf %convert_element_type3A_769, %add3A_780 : f32
    %add3A_782 = arith.constant 0.000000e+00 : f32
    %add3A_783 = arith.addf %convert_element_type3A_769, %add3A_782 : f32
    %mul3A_784 = arith.mulf %add3A_781, %add3A_783 : f32
    %add3A_785 = arith.constant 3.200000e+01 : f32
    %add3A_786 = arith.addf %convert_element_type3A_769, %add3A_785 : f32
    %add3A_787 = arith.constant 3.200000e+01 : f32
    %add3A_788 = arith.addf %convert_element_type3A_769, %add3A_787 : f32
    %mul3A_789 = arith.mulf %add3A_786, %add3A_788 : f32
    %min3A = arith.minimumf %mul3A_774, %mul3A_779 : f32
    %min3A_790 = arith.minimumf %mul3A_784, %mul3A_789 : f32
    %min3A_791 = arith.minimumf %min3A, %min3A_790 : f32
    %scan3A = arith.constant 0 : i32
    %scan3A_792 = arith.constant 0 : i32
    %scan3A_793 = arith.constant 159 : i32
    %scan3A_794 = arith.addi %scan3A_792, %scan3A_793 : i32
    %scan3A_795 = arith.constant 1 : i32
    scf.for %scan3A_831 = %scan3A_792 to %scan3A_794 step %scan3A_795  : i32 {
      %mul3A_832 = arith.constant 4 : i32
      %mul3A_833 = arith.muli %scan3A_831, %mul3A_832 : i32
      %get3A = arith.index_cast %mul3A_833 : i32 to index
      %get3A_834 = tpu.vector_load %arg4[%get3A] {strides = array<i32>} : memref<656xf32, #tpu.memory_space<vmem>>, vector<16xf32>,
      %get3A_835 = vector.shape_cast %get3A_834 : vector<16xf32> to vector<16xf32>
      %slice3A = vector.extract_strided_slice %get3A_835 {offsets = [2], sizes = [1], strides = [1]} : vector<16xf32> to vector<1xf32>
      %squeeze3A = vector.extract %slice3A[0] : f32 from vector<1xf32>
      %ge3A = arith.cmpf oge, %squeeze3A, %min3A_791 : f32
      %convert_element_type3A_836 = arith.extui %ge3A : i1 to i32
      %cond3A_837 = arith.constant 0 : i32
      %cond3A_838 = arith.cmpi ne, %convert_element_type3A_836, %cond3A_837 : i32
      scf.if %cond3A_838 {
        %slice3A_839 = vector.extract_strided_slice %get3A_835 {offsets = [0], sizes = [1], strides = [1]} : vector<16xf32> to vector<1xf32>
        %squeeze3A_840 = vector.extract %slice3A_839[0] : f32 from vector<1xf32>
        %slice3A_841 = vector.extract_strided_slice %get3A_835 {offsets = [1], sizes = [1], strides = [1]} : vector<16xf32> to vector<1xf32>
        %squeeze3A_842 = vector.extract %slice3A_841[0] : f32 from vector<1xf32>
        %slice3A_843 = vector.extract_strided_slice %get3A_835 {offsets = [3], sizes = [1], strides = [1]} : vector<16xf32> to vector<1xf32>
        %squeeze3A_844 = vector.extract %slice3A_843[0] : f32 from vector<1xf32>
        %sub3A = arith.subf %squeeze3A_840, %squeeze3A_842 : f32
        %max3A = arith.constant 0.000000e+00 : f32
        %max3A_845 = arith.maximumf %sub3A, %max3A : f32
        %add3A_846 = arith.addf %squeeze3A_840, %squeeze3A_842 : f32
        %min3A_847 = arith.constant 2.550000e+02 : f32
        %min3A_848 = arith.minimumf %add3A_846, %min3A_847 : f32
        %convert_element_type3A_849 = arith.fptosi %max3A_845 : f32 to i32
        %shift_right_arithmetic3A = arith.constant 4 : i32
        %shift_right_arithmetic3A_850 = arith.shrsi %convert_element_type3A_849, %shift_right_arithmetic3A : i32
        %convert_element_type3A_851 = arith.fptosi %min3A_848 : f32 to i32
        %shift_right_arithmetic3A_852 = arith.constant 4 : i32
        %shift_right_arithmetic3A_853 = arith.shrsi %convert_element_type3A_851, %shift_right_arithmetic3A_852 : i32
        %sub3A_854 = arith.subf %squeeze3A, %mul3A_774 : f32
        %ge3A_855 = arith.constant 0.000000e+00 : f32
        %ge3A_856 = arith.cmpf oge, %sub3A_854, %ge3A_855 : f32
        %convert_element_type3A_857 = arith.extui %ge3A_856 : i1 to i32
        %cond3A_858 = arith.constant 0 : i32
        %cond3A_859 = arith.cmpi ne, %convert_element_type3A_857, %cond3A_858 : i32
        scf.if %cond3A_859 {
          %add3A_878 = arith.constant 1 : i32
          %add3A_879 = arith.addi %shift_right_arithmetic3A_853, %add3A_878 : i32
          %while3A = arith.constant 0 : i32
          %while3A_880 = arith.subi %add3A_879, %shift_right_arithmetic3A_850 : i32
          %while3A_881 = arith.addi %shift_right_arithmetic3A_850, %while3A_880 : i32
          %while3A_882 = arith.constant 1 : i32
          %while3A_883 = arith.divsi %while3A_880, %while3A_882 : i32
          %while3A_884 = arith.muli %while3A_883, %while3A_882 : i32
          %while3A_885 = arith.addi %shift_right_arithmetic3A_850, %while3A_884 : i32
          %while3A_886 = arith.constant 1 : i32
          scf.for %while3A_888 = %shift_right_arithmetic3A_850 to %while3A_885 step %while3A_886  : i32 {
            %mul3A_889 = arith.constant 16 : i32
            %mul3A_890 = arith.muli %while3A_888, %mul3A_889 : i32
            %convert_element_type3A_891 = arith.sitofp %mul3A_890 : i32 to f32
            %add3A_892 = vector.broadcast %convert_element_type3A_891 : f32 to vector<16xf32>
            %add3A_893 = arith.addf %add3A_892, %convert_element_type3A : vector<16xf32>
            %sub3A_894 = vector.broadcast %squeeze3A_840 : f32 to vector<16xf32>
            %sub3A_895 = arith.subf %add3A_893, %sub3A_894 : vector<16xf32>
            %mul3A_896 = arith.mulf %sub3A_895, %sub3A_895 : vector<16xf32>
            %le3A = vector.broadcast %sub3A_854 : f32 to vector<16xf32>
            %le3A_897 = arith.cmpf ole, %mul3A_896, %le3A : vector<16xf32>
            %get3A_898 = arith.constant 2 : i32
            %get3A_899 = arith.index_cast %get3A_898 : i32 to index
            %get3A_900 = arith.index_cast %mul3A_890 : i32 to index
            %get3A_901 = tpu.vector_load %arg5[%get3A_899, %get3A_900] {strides = array<i32>} : memref<8x256xf32, #tpu.memory_space<vmem>>, vector<1x16xf32>,
            %get3A_902 = vector.shape_cast %get3A_901 : vector<1x16xf32> to vector<16xf32>
            %min3A_903 = vector.broadcast %squeeze3A_844 : f32 to vector<16xf32>
            %min3A_904 = arith.minimumf %get3A_902, %min3A_903 : vector<16xf32>
            %select_n3A = arith.select %le3A_897, %min3A_904, %get3A_902 : vector<16xi1>, vector<16xf32>
            %swap3A_905 = arith.constant 2 : i32
            %swap3A_906 = arith.index_cast %swap3A_905 : i32 to index
            %swap3A_907 = arith.index_cast %mul3A_890 : i32 to index
            %swap3A_908 = tpu.vector_load %arg5[%swap3A_906, %swap3A_907] {strides = array<i32>} : memref<8x256xf32, #tpu.memory_space<vmem>>, vector<1x16xf32>,
            %swap3A_909 = vector.shape_cast %swap3A_908 : vector<1x16xf32> to vector<16xf32>
            %swap3A_910 = vector.shape_cast %select_n3A : vector<16xf32> to vector<1x16xf32>
            tpu.vector_store %arg5[%swap3A_906, %swap3A_907], %swap3A_910 {strides = array<i32>} : memref<8x256xf32, #tpu.memory_space<vmem>>, vector<1x16xf32>,
          }
          %while3A_887 = arith.constant 1 : i32
          scf.for %while3A_888 = %while3A_885 to %while3A_881 step %while3A_887  : i32 {
            %mul3A_889 = arith.constant 16 : i32
            %mul3A_890 = arith.muli %while3A_888, %mul3A_889 : i32
            %convert_element_type3A_891 = arith.sitofp %mul3A_890 : i32 to f32
            %add3A_892 = vector.broadcast %convert_element_type3A_891 : f32 to vector<16xf32>
            %add3A_893 = arith.addf %add3A_892, %convert_element_type3A : vector<16xf32>
            %sub3A_894 = vector.broadcast %squeeze3A_840 : f32 to vector<16xf32>
            %sub3A_895 = arith.subf %add3A_893, %sub3A_894 : vector<16xf32>
            %mul3A_896 = arith.mulf %sub3A_895, %sub3A_895 : vector<16xf32>
            %le3A = vector.broadcast %sub3A_854 : f32 to vector<16xf32>
            %le3A_897 = arith.cmpf ole, %mul3A_896, %le3A : vector<16xf32>
            %get3A_898 = arith.constant 2 : i32
            %get3A_899 = arith.index_cast %get3A_898 : i32 to index
            %get3A_900 = arith.index_cast %mul3A_890 : i32 to index
            %get3A_901 = tpu.vector_load %arg5[%get3A_899, %get3A_900] {strides = array<i32>} : memref<8x256xf32, #tpu.memory_space<vmem>>, vector<1x16xf32>,
            %get3A_902 = vector.shape_cast %get3A_901 : vector<1x16xf32> to vector<16xf32>
            %min3A_903 = vector.broadcast %squeeze3A_844 : f32 to vector<16xf32>
            %min3A_904 = arith.minimumf %get3A_902, %min3A_903 : vector<16xf32>
            %select_n3A = arith.select %le3A_897, %min3A_904, %get3A_902 : vector<16xi1>, vector<16xf32>
            %swap3A_905 = arith.constant 2 : i32
            %swap3A_906 = arith.index_cast %swap3A_905 : i32 to index
            %swap3A_907 = arith.index_cast %mul3A_890 : i32 to index
            %swap3A_908 = tpu.vector_load %arg5[%swap3A_906, %swap3A_907] {strides = array<i32>} : memref<8x256xf32, #tpu.memory_space<vmem>>, vector<1x16xf32>,
            %swap3A_909 = vector.shape_cast %swap3A_908 : vector<1x16xf32> to vector<16xf32>
            %swap3A_910 = vector.shape_cast %select_n3A : vector<16xf32> to vector<1x16xf32>
            tpu.vector_store %arg5[%swap3A_906, %swap3A_907], %swap3A_910 {strides = array<i32>} : memref<8x256xf32, #tpu.memory_space<vmem>>, vector<1x16xf32>,
          }
        } else {
        }
        %sub3A_860 = arith.subf %squeeze3A, %mul3A_779 : f32
        %ge3A_861 = arith.constant 0.000000e+00 : f32
        %ge3A_862 = arith.cmpf oge, %sub3A_860, %ge3A_861 : f32
        %convert_element_type3A_863 = arith.extui %ge3A_862 : i1 to i32
        %cond3A_864 = arith.constant 0 : i32
        %cond3A_865 = arith.cmpi ne, %convert_element_type3A_863, %cond3A_864 : i32
        scf.if %cond3A_865 {
          %add3A_878 = arith.constant 1 : i32
          %add3A_879 = arith.addi %shift_right_arithmetic3A_853, %add3A_878 : i32
          %while3A = arith.constant 0 : i32
          %while3A_880 = arith.subi %add3A_879, %shift_right_arithmetic3A_850 : i32
          %while3A_881 = arith.addi %shift_right_arithmetic3A_850, %while3A_880 : i32
          %while3A_882 = arith.constant 1 : i32
          %while3A_883 = arith.divsi %while3A_880, %while3A_882 : i32
          %while3A_884 = arith.muli %while3A_883, %while3A_882 : i32
          %while3A_885 = arith.addi %shift_right_arithmetic3A_850, %while3A_884 : i32
          %while3A_886 = arith.constant 1 : i32
          scf.for %while3A_888 = %shift_right_arithmetic3A_850 to %while3A_885 step %while3A_886  : i32 {
            %mul3A_889 = arith.constant 16 : i32
            %mul3A_890 = arith.muli %while3A_888, %mul3A_889 : i32
            %convert_element_type3A_891 = arith.sitofp %mul3A_890 : i32 to f32
            %add3A_892 = vector.broadcast %convert_element_type3A_891 : f32 to vector<16xf32>
            %add3A_893 = arith.addf %add3A_892, %convert_element_type3A : vector<16xf32>
            %sub3A_894 = vector.broadcast %squeeze3A_840 : f32 to vector<16xf32>
            %sub3A_895 = arith.subf %add3A_893, %sub3A_894 : vector<16xf32>
            %mul3A_896 = arith.mulf %sub3A_895, %sub3A_895 : vector<16xf32>
            %le3A = vector.broadcast %sub3A_860 : f32 to vector<16xf32>
            %le3A_897 = arith.cmpf ole, %mul3A_896, %le3A : vector<16xf32>
            %get3A_898 = arith.constant 3 : i32
            %get3A_899 = arith.index_cast %get3A_898 : i32 to index
            %get3A_900 = arith.index_cast %mul3A_890 : i32 to index
            %get3A_901 = tpu.vector_load %arg5[%get3A_899, %get3A_900] {strides = array<i32>} : memref<8x256xf32, #tpu.memory_space<vmem>>, vector<1x16xf32>,
            %get3A_902 = vector.shape_cast %get3A_901 : vector<1x16xf32> to vector<16xf32>
            %min3A_903 = vector.broadcast %squeeze3A_844 : f32 to vector<16xf32>
            %min3A_904 = arith.minimumf %get3A_902, %min3A_903 : vector<16xf32>
            %select_n3A = arith.select %le3A_897, %min3A_904, %get3A_902 : vector<16xi1>, vector<16xf32>
            %swap3A_905 = arith.constant 3 : i32
            %swap3A_906 = arith.index_cast %swap3A_905 : i32 to index
            %swap3A_907 = arith.index_cast %mul3A_890 : i32 to index
            %swap3A_908 = tpu.vector_load %arg5[%swap3A_906, %swap3A_907] {strides = array<i32>} : memref<8x256xf32, #tpu.memory_space<vmem>>, vector<1x16xf32>,
            %swap3A_909 = vector.shape_cast %swap3A_908 : vector<1x16xf32> to vector<16xf32>
            %swap3A_910 = vector.shape_cast %select_n3A : vector<16xf32> to vector<1x16xf32>
            tpu.vector_store %arg5[%swap3A_906, %swap3A_907], %swap3A_910 {strides = array<i32>} : memref<8x256xf32, #tpu.memory_space<vmem>>, vector<1x16xf32>,
          }
          %while3A_887 = arith.constant 1 : i32
          scf.for %while3A_888 = %while3A_885 to %while3A_881 step %while3A_887  : i32 {
            %mul3A_889 = arith.constant 16 : i32
            %mul3A_890 = arith.muli %while3A_888, %mul3A_889 : i32
            %convert_element_type3A_891 = arith.sitofp %mul3A_890 : i32 to f32
            %add3A_892 = vector.broadcast %convert_element_type3A_891 : f32 to vector<16xf32>
            %add3A_893 = arith.addf %add3A_892, %convert_element_type3A : vector<16xf32>
            %sub3A_894 = vector.broadcast %squeeze3A_840 : f32 to vector<16xf32>
            %sub3A_895 = arith.subf %add3A_893, %sub3A_894 : vector<16xf32>
            %mul3A_896 = arith.mulf %sub3A_895, %sub3A_895 : vector<16xf32>
            %le3A = vector.broadcast %sub3A_860 : f32 to vector<16xf32>
            %le3A_897 = arith.cmpf ole, %mul3A_896, %le3A : vector<16xf32>
            %get3A_898 = arith.constant 3 : i32
            %get3A_899 = arith.index_cast %get3A_898 : i32 to index
            %get3A_900 = arith.index_cast %mul3A_890 : i32 to index
            %get3A_901 = tpu.vector_load %arg5[%get3A_899, %get3A_900] {strides = array<i32>} : memref<8x256xf32, #tpu.memory_space<vmem>>, vector<1x16xf32>,
            %get3A_902 = vector.shape_cast %get3A_901 : vector<1x16xf32> to vector<16xf32>
            %min3A_903 = vector.broadcast %squeeze3A_844 : f32 to vector<16xf32>
            %min3A_904 = arith.minimumf %get3A_902, %min3A_903 : vector<16xf32>
            %select_n3A = arith.select %le3A_897, %min3A_904, %get3A_902 : vector<16xi1>, vector<16xf32>
            %swap3A_905 = arith.constant 3 : i32
            %swap3A_906 = arith.index_cast %swap3A_905 : i32 to index
            %swap3A_907 = arith.index_cast %mul3A_890 : i32 to index
            %swap3A_908 = tpu.vector_load %arg5[%swap3A_906, %swap3A_907] {strides = array<i32>} : memref<8x256xf32, #tpu.memory_space<vmem>>, vector<1x16xf32>,
            %swap3A_909 = vector.shape_cast %swap3A_908 : vector<1x16xf32> to vector<16xf32>
            %swap3A_910 = vector.shape_cast %select_n3A : vector<16xf32> to vector<1x16xf32>
            tpu.vector_store %arg5[%swap3A_906, %swap3A_907], %swap3A_910 {strides = array<i32>} : memref<8x256xf32, #tpu.memory_space<vmem>>, vector<1x16xf32>,
          }
        } else {
        }
        %sub3A_866 = arith.subf %squeeze3A, %mul3A_784 : f32
        %ge3A_867 = arith.constant 0.000000e+00 : f32
        %ge3A_868 = arith.cmpf oge, %sub3A_866, %ge3A_867 : f32
        %convert_element_type3A_869 = arith.extui %ge3A_868 : i1 to i32
        %cond3A_870 = arith.constant 0 : i32
        %cond3A_871 = arith.cmpi ne, %convert_element_type3A_869, %cond3A_870 : i32
        scf.if %cond3A_871 {
          %add3A_878 = arith.constant 1 : i32
          %add3A_879 = arith.addi %shift_right_arithmetic3A_853, %add3A_878 : i32
          %while3A = arith.constant 0 : i32
          %while3A_880 = arith.subi %add3A_879, %shift_right_arithmetic3A_850 : i32
          %while3A_881 = arith.addi %shift_right_arithmetic3A_850, %while3A_880 : i32
          %while3A_882 = arith.constant 1 : i32
          %while3A_883 = arith.divsi %while3A_880, %while3A_882 : i32
          %while3A_884 = arith.muli %while3A_883, %while3A_882 : i32
          %while3A_885 = arith.addi %shift_right_arithmetic3A_850, %while3A_884 : i32
          %while3A_886 = arith.constant 1 : i32
          scf.for %while3A_888 = %shift_right_arithmetic3A_850 to %while3A_885 step %while3A_886  : i32 {
            %mul3A_889 = arith.constant 16 : i32
            %mul3A_890 = arith.muli %while3A_888, %mul3A_889 : i32
            %convert_element_type3A_891 = arith.sitofp %mul3A_890 : i32 to f32
            %add3A_892 = vector.broadcast %convert_element_type3A_891 : f32 to vector<16xf32>
            %add3A_893 = arith.addf %add3A_892, %convert_element_type3A : vector<16xf32>
            %sub3A_894 = vector.broadcast %squeeze3A_840 : f32 to vector<16xf32>
            %sub3A_895 = arith.subf %add3A_893, %sub3A_894 : vector<16xf32>
            %mul3A_896 = arith.mulf %sub3A_895, %sub3A_895 : vector<16xf32>
            %le3A = vector.broadcast %sub3A_866 : f32 to vector<16xf32>
            %le3A_897 = arith.cmpf ole, %mul3A_896, %le3A : vector<16xf32>
            %get3A_898 = arith.constant 4 : i32
            %get3A_899 = arith.index_cast %get3A_898 : i32 to index
            %get3A_900 = arith.index_cast %mul3A_890 : i32 to index
            %get3A_901 = tpu.vector_load %arg5[%get3A_899, %get3A_900] {strides = array<i32>} : memref<8x256xf32, #tpu.memory_space<vmem>>, vector<1x16xf32>,
            %get3A_902 = vector.shape_cast %get3A_901 : vector<1x16xf32> to vector<16xf32>
            %min3A_903 = vector.broadcast %squeeze3A_844 : f32 to vector<16xf32>
            %min3A_904 = arith.minimumf %get3A_902, %min3A_903 : vector<16xf32>
            %select_n3A = arith.select %le3A_897, %min3A_904, %get3A_902 : vector<16xi1>, vector<16xf32>
            %swap3A_905 = arith.constant 4 : i32
            %swap3A_906 = arith.index_cast %swap3A_905 : i32 to index
            %swap3A_907 = arith.index_cast %mul3A_890 : i32 to index
            %swap3A_908 = tpu.vector_load %arg5[%swap3A_906, %swap3A_907] {strides = array<i32>} : memref<8x256xf32, #tpu.memory_space<vmem>>, vector<1x16xf32>,
            %swap3A_909 = vector.shape_cast %swap3A_908 : vector<1x16xf32> to vector<16xf32>
            %swap3A_910 = vector.shape_cast %select_n3A : vector<16xf32> to vector<1x16xf32>
            tpu.vector_store %arg5[%swap3A_906, %swap3A_907], %swap3A_910 {strides = array<i32>} : memref<8x256xf32, #tpu.memory_space<vmem>>, vector<1x16xf32>,
          }
          %while3A_887 = arith.constant 1 : i32
          scf.for %while3A_888 = %while3A_885 to %while3A_881 step %while3A_887  : i32 {
            %mul3A_889 = arith.constant 16 : i32
            %mul3A_890 = arith.muli %while3A_888, %mul3A_889 : i32
            %convert_element_type3A_891 = arith.sitofp %mul3A_890 : i32 to f32
            %add3A_892 = vector.broadcast %convert_element_type3A_891 : f32 to vector<16xf32>
            %add3A_893 = arith.addf %add3A_892, %convert_element_type3A : vector<16xf32>
            %sub3A_894 = vector.broadcast %squeeze3A_840 : f32 to vector<16xf32>
            %sub3A_895 = arith.subf %add3A_893, %sub3A_894 : vector<16xf32>
            %mul3A_896 = arith.mulf %sub3A_895, %sub3A_895 : vector<16xf32>
            %le3A = vector.broadcast %sub3A_866 : f32 to vector<16xf32>
            %le3A_897 = arith.cmpf ole, %mul3A_896, %le3A : vector<16xf32>
            %get3A_898 = arith.constant 4 : i32
            %get3A_899 = arith.index_cast %get3A_898 : i32 to index
            %get3A_900 = arith.index_cast %mul3A_890 : i32 to index
            %get3A_901 = tpu.vector_load %arg5[%get3A_899, %get3A_900] {strides = array<i32>} : memref<8x256xf32, #tpu.memory_space<vmem>>, vector<1x16xf32>,
            %get3A_902 = vector.shape_cast %get3A_901 : vector<1x16xf32> to vector<16xf32>
            %min3A_903 = vector.broadcast %squeeze3A_844 : f32 to vector<16xf32>
            %min3A_904 = arith.minimumf %get3A_902, %min3A_903 : vector<16xf32>
            %select_n3A = arith.select %le3A_897, %min3A_904, %get3A_902 : vector<16xi1>, vector<16xf32>
            %swap3A_905 = arith.constant 4 : i32
            %swap3A_906 = arith.index_cast %swap3A_905 : i32 to index
            %swap3A_907 = arith.index_cast %mul3A_890 : i32 to index
            %swap3A_908 = tpu.vector_load %arg5[%swap3A_906, %swap3A_907] {strides = array<i32>} : memref<8x256xf32, #tpu.memory_space<vmem>>, vector<1x16xf32>,
            %swap3A_909 = vector.shape_cast %swap3A_908 : vector<1x16xf32> to vector<16xf32>
            %swap3A_910 = vector.shape_cast %select_n3A : vector<16xf32> to vector<1x16xf32>
            tpu.vector_store %arg5[%swap3A_906, %swap3A_907], %swap3A_910 {strides = array<i32>} : memref<8x256xf32, #tpu.memory_space<vmem>>, vector<1x16xf32>,
          }
        } else {
        }
        %sub3A_872 = arith.subf %squeeze3A, %mul3A_789 : f32
        %ge3A_873 = arith.constant 0.000000e+00 : f32
        %ge3A_874 = arith.cmpf oge, %sub3A_872, %ge3A_873 : f32
        %convert_element_type3A_875 = arith.extui %ge3A_874 : i1 to i32
        %cond3A_876 = arith.constant 0 : i32
        %cond3A_877 = arith.cmpi ne, %convert_element_type3A_875, %cond3A_876 : i32
        scf.if %cond3A_877 {
          %add3A_878 = arith.constant 1 : i32
          %add3A_879 = arith.addi %shift_right_arithmetic3A_853, %add3A_878 : i32
          %while3A = arith.constant 0 : i32
          %while3A_880 = arith.subi %add3A_879, %shift_right_arithmetic3A_850 : i32
          %while3A_881 = arith.addi %shift_right_arithmetic3A_850, %while3A_880 : i32
          %while3A_882 = arith.constant 1 : i32
          %while3A_883 = arith.divsi %while3A_880, %while3A_882 : i32
          %while3A_884 = arith.muli %while3A_883, %while3A_882 : i32
          %while3A_885 = arith.addi %shift_right_arithmetic3A_850, %while3A_884 : i32
          %while3A_886 = arith.constant 1 : i32
          scf.for %while3A_888 = %shift_right_arithmetic3A_850 to %while3A_885 step %while3A_886  : i32 {
            %mul3A_889 = arith.constant 16 : i32
            %mul3A_890 = arith.muli %while3A_888, %mul3A_889 : i32
            %convert_element_type3A_891 = arith.sitofp %mul3A_890 : i32 to f32
            %add3A_892 = vector.broadcast %convert_element_type3A_891 : f32 to vector<16xf32>
            %add3A_893 = arith.addf %add3A_892, %convert_element_type3A : vector<16xf32>
            %sub3A_894 = vector.broadcast %squeeze3A_840 : f32 to vector<16xf32>
            %sub3A_895 = arith.subf %add3A_893, %sub3A_894 : vector<16xf32>
            %mul3A_896 = arith.mulf %sub3A_895, %sub3A_895 : vector<16xf32>
            %le3A = vector.broadcast %sub3A_872 : f32 to vector<16xf32>
            %le3A_897 = arith.cmpf ole, %mul3A_896, %le3A : vector<16xf32>
            %get3A_898 = arith.constant 5 : i32
            %get3A_899 = arith.index_cast %get3A_898 : i32 to index
            %get3A_900 = arith.index_cast %mul3A_890 : i32 to index
            %get3A_901 = tpu.vector_load %arg5[%get3A_899, %get3A_900] {strides = array<i32>} : memref<8x256xf32, #tpu.memory_space<vmem>>, vector<1x16xf32>,
            %get3A_902 = vector.shape_cast %get3A_901 : vector<1x16xf32> to vector<16xf32>
            %min3A_903 = vector.broadcast %squeeze3A_844 : f32 to vector<16xf32>
            %min3A_904 = arith.minimumf %get3A_902, %min3A_903 : vector<16xf32>
            %select_n3A = arith.select %le3A_897, %min3A_904, %get3A_902 : vector<16xi1>, vector<16xf32>
            %swap3A_905 = arith.constant 5 : i32
            %swap3A_906 = arith.index_cast %swap3A_905 : i32 to index
            %swap3A_907 = arith.index_cast %mul3A_890 : i32 to index
            %swap3A_908 = tpu.vector_load %arg5[%swap3A_906, %swap3A_907] {strides = array<i32>} : memref<8x256xf32, #tpu.memory_space<vmem>>, vector<1x16xf32>,
            %swap3A_909 = vector.shape_cast %swap3A_908 : vector<1x16xf32> to vector<16xf32>
            %swap3A_910 = vector.shape_cast %select_n3A : vector<16xf32> to vector<1x16xf32>
            tpu.vector_store %arg5[%swap3A_906, %swap3A_907], %swap3A_910 {strides = array<i32>} : memref<8x256xf32, #tpu.memory_space<vmem>>, vector<1x16xf32>,
          }
          %while3A_887 = arith.constant 1 : i32
          scf.for %while3A_888 = %while3A_885 to %while3A_881 step %while3A_887  : i32 {
            %mul3A_889 = arith.constant 16 : i32
            %mul3A_890 = arith.muli %while3A_888, %mul3A_889 : i32
            %convert_element_type3A_891 = arith.sitofp %mul3A_890 : i32 to f32
            %add3A_892 = vector.broadcast %convert_element_type3A_891 : f32 to vector<16xf32>
            %add3A_893 = arith.addf %add3A_892, %convert_element_type3A : vector<16xf32>
            %sub3A_894 = vector.broadcast %squeeze3A_840 : f32 to vector<16xf32>
            %sub3A_895 = arith.subf %add3A_893, %sub3A_894 : vector<16xf32>
            %mul3A_896 = arith.mulf %sub3A_895, %sub3A_895 : vector<16xf32>
            %le3A = vector.broadcast %sub3A_872 : f32 to vector<16xf32>
            %le3A_897 = arith.cmpf ole, %mul3A_896, %le3A : vector<16xf32>
            %get3A_898 = arith.constant 5 : i32
            %get3A_899 = arith.index_cast %get3A_898 : i32 to index
            %get3A_900 = arith.index_cast %mul3A_890 : i32 to index
            %get3A_901 = tpu.vector_load %arg5[%get3A_899, %get3A_900] {strides = array<i32>} : memref<8x256xf32, #tpu.memory_space<vmem>>, vector<1x16xf32>,
            %get3A_902 = vector.shape_cast %get3A_901 : vector<1x16xf32> to vector<16xf32>
            %min3A_903 = vector.broadcast %squeeze3A_844 : f32 to vector<16xf32>
            %min3A_904 = arith.minimumf %get3A_902, %min3A_903 : vector<16xf32>
            %select_n3A = arith.select %le3A_897, %min3A_904, %get3A_902 : vector<16xi1>, vector<16xf32>
            %swap3A_905 = arith.constant 5 : i32
            %swap3A_906 = arith.index_cast %swap3A_905 : i32 to index
            %swap3A_907 = arith.index_cast %mul3A_890 : i32 to index
            %swap3A_908 = tpu.vector_load %arg5[%swap3A_906, %swap3A_907] {strides = array<i32>} : memref<8x256xf32, #tpu.memory_space<vmem>>, vector<1x16xf32>,
            %swap3A_909 = vector.shape_cast %swap3A_908 : vector<1x16xf32> to vector<16xf32>
            %swap3A_910 = vector.shape_cast %select_n3A : vector<16xf32> to vector<1x16xf32>
            tpu.vector_store %arg5[%swap3A_906, %swap3A_907], %swap3A_910 {strides = array<i32>} : memref<8x256xf32, #tpu.memory_space<vmem>>, vector<1x16xf32>,
          }
        } else {
        }
      } else {
      }
    }
    %scan3A_796 = arith.constant 159 : i32
    %eq3A = arith.constant 0 : i32
    %eq3A_797 = arith.cmpi eq, %add3A, %eq3A : i32
    %convert_element_type3A_798 = arith.extui %eq3A_797 : i1 to i32
    %cond3A = arith.constant 0 : i32
    %cond3A_799 = arith.cmpi ne, %convert_element_type3A_798, %cond3A : i32
    scf.if %cond3A_799 {
      %scan3A_831 = arith.constant 0 : i32
      %scan3A_832 = arith.constant 0 : i32
      %scan3A_833 = arith.constant 159 : i32
      %scan3A_834 = arith.addi %scan3A_832, %scan3A_833 : i32
      %scan3A_835 = arith.constant 1 : i32
      scf.for %scan3A_837 = %scan3A_832 to %scan3A_834 step %scan3A_835  : i32 {
        %mul3A_838 = arith.constant 4 : i32
        %mul3A_839 = arith.muli %scan3A_837, %mul3A_838 : i32
        %get3A = arith.index_cast %mul3A_839 : i32 to index
        %get3A_840 = tpu.vector_load %arg4[%get3A] {strides = array<i32>} : memref<656xf32, #tpu.memory_space<vmem>>, vector<16xf32>,
        %get3A_841 = vector.shape_cast %get3A_840 : vector<16xf32> to vector<16xf32>
        %slice3A = vector.extract_strided_slice %get3A_841 {offsets = [2], sizes = [1], strides = [1]} : vector<16xf32> to vector<1xf32>
        %squeeze3A = vector.extract %slice3A[0] : f32 from vector<1xf32>
        %ge3A = arith.constant 4.096000e+03 : f32
        %ge3A_842 = arith.cmpf oge, %squeeze3A, %ge3A : f32
        %convert_element_type3A_843 = arith.extui %ge3A_842 : i1 to i32
        %cond3A_844 = arith.constant 0 : i32
        %cond3A_845 = arith.cmpi ne, %convert_element_type3A_843, %cond3A_844 : i32
        scf.if %cond3A_845 {
          %slice3A_846 = vector.extract_strided_slice %get3A_841 {offsets = [0], sizes = [1], strides = [1]} : vector<16xf32> to vector<1xf32>
          %squeeze3A_847 = vector.extract %slice3A_846[0] : f32 from vector<1xf32>
          %slice3A_848 = vector.extract_strided_slice %get3A_841 {offsets = [1], sizes = [1], strides = [1]} : vector<16xf32> to vector<1xf32>
          %squeeze3A_849 = vector.extract %slice3A_848[0] : f32 from vector<1xf32>
          %slice3A_850 = vector.extract_strided_slice %get3A_841 {offsets = [3], sizes = [1], strides = [1]} : vector<16xf32> to vector<1xf32>
          %squeeze3A_851 = vector.extract %slice3A_850[0] : f32 from vector<1xf32>
          %sub3A = arith.subf %squeeze3A_847, %squeeze3A_849 : f32
          %max3A = arith.constant 0.000000e+00 : f32
          %max3A_852 = arith.maximumf %sub3A, %max3A : f32
          %add3A_853 = arith.addf %squeeze3A_847, %squeeze3A_849 : f32
          %min3A_854 = arith.constant 2.550000e+02 : f32
          %min3A_855 = arith.minimumf %add3A_853, %min3A_854 : f32
          %convert_element_type3A_856 = arith.fptosi %max3A_852 : f32 to i32
          %shift_right_arithmetic3A = arith.constant 4 : i32
          %shift_right_arithmetic3A_857 = arith.shrsi %convert_element_type3A_856, %shift_right_arithmetic3A : i32
          %convert_element_type3A_858 = arith.fptosi %min3A_855 : f32 to i32
          %shift_right_arithmetic3A_859 = arith.constant 4 : i32
          %shift_right_arithmetic3A_860 = arith.shrsi %convert_element_type3A_858, %shift_right_arithmetic3A_859 : i32
          %sub3A_861 = arith.constant 4.096000e+03 : f32
          %sub3A_862 = arith.subf %squeeze3A, %sub3A_861 : f32
          %ge3A_863 = arith.constant 0.000000e+00 : f32
          %ge3A_864 = arith.cmpf oge, %sub3A_862, %ge3A_863 : f32
          %convert_element_type3A_865 = arith.extui %ge3A_864 : i1 to i32
          %cond3A_866 = arith.constant 0 : i32
          %cond3A_867 = arith.cmpi ne, %convert_element_type3A_865, %cond3A_866 : i32
          scf.if %cond3A_867 {
            %add3A_868 = arith.constant 1 : i32
            %add3A_869 = arith.addi %shift_right_arithmetic3A_860, %add3A_868 : i32
            %while3A = arith.constant 0 : i32
            %while3A_870 = arith.subi %add3A_869, %shift_right_arithmetic3A_857 : i32
            %while3A_871 = arith.addi %shift_right_arithmetic3A_857, %while3A_870 : i32
            %while3A_872 = arith.constant 1 : i32
            %while3A_873 = arith.divsi %while3A_870, %while3A_872 : i32
            %while3A_874 = arith.muli %while3A_873, %while3A_872 : i32
            %while3A_875 = arith.addi %shift_right_arithmetic3A_857, %while3A_874 : i32
            %while3A_876 = arith.constant 1 : i32
            scf.for %while3A_878 = %shift_right_arithmetic3A_857 to %while3A_875 step %while3A_876  : i32 {
              %mul3A_879 = arith.constant 16 : i32
              %mul3A_880 = arith.muli %while3A_878, %mul3A_879 : i32
              %convert_element_type3A_881 = arith.sitofp %mul3A_880 : i32 to f32
              %add3A_882 = vector.broadcast %convert_element_type3A_881 : f32 to vector<16xf32>
              %add3A_883 = arith.addf %add3A_882, %convert_element_type3A : vector<16xf32>
              %sub3A_884 = vector.broadcast %squeeze3A_847 : f32 to vector<16xf32>
              %sub3A_885 = arith.subf %add3A_883, %sub3A_884 : vector<16xf32>
              %mul3A_886 = arith.mulf %sub3A_885, %sub3A_885 : vector<16xf32>
              %le3A = vector.broadcast %sub3A_862 : f32 to vector<16xf32>
              %le3A_887 = arith.cmpf ole, %mul3A_886, %le3A : vector<16xf32>
              %get3A_888 = arith.constant 6 : i32
              %get3A_889 = arith.index_cast %get3A_888 : i32 to index
              %get3A_890 = arith.index_cast %mul3A_880 : i32 to index
              %get3A_891 = tpu.vector_load %arg5[%get3A_889, %get3A_890] {strides = array<i32>} : memref<8x256xf32, #tpu.memory_space<vmem>>, vector<1x16xf32>,
              %get3A_892 = vector.shape_cast %get3A_891 : vector<1x16xf32> to vector<16xf32>
              %min3A_893 = vector.broadcast %squeeze3A_851 : f32 to vector<16xf32>
              %min3A_894 = arith.minimumf %get3A_892, %min3A_893 : vector<16xf32>
              %select_n3A = arith.select %le3A_887, %min3A_894, %get3A_892 : vector<16xi1>, vector<16xf32>
              %swap3A_895 = arith.constant 6 : i32
              %swap3A_896 = arith.index_cast %swap3A_895 : i32 to index
              %swap3A_897 = arith.index_cast %mul3A_880 : i32 to index
              %swap3A_898 = tpu.vector_load %arg5[%swap3A_896, %swap3A_897] {strides = array<i32>} : memref<8x256xf32, #tpu.memory_space<vmem>>, vector<1x16xf32>,
              %swap3A_899 = vector.shape_cast %swap3A_898 : vector<1x16xf32> to vector<16xf32>
              %swap3A_900 = vector.shape_cast %select_n3A : vector<16xf32> to vector<1x16xf32>
              tpu.vector_store %arg5[%swap3A_896, %swap3A_897], %swap3A_900 {strides = array<i32>} : memref<8x256xf32, #tpu.memory_space<vmem>>, vector<1x16xf32>,
            }
            %while3A_877 = arith.constant 1 : i32
            scf.for %while3A_878 = %while3A_875 to %while3A_871 step %while3A_877  : i32 {
              %mul3A_879 = arith.constant 16 : i32
              %mul3A_880 = arith.muli %while3A_878, %mul3A_879 : i32
              %convert_element_type3A_881 = arith.sitofp %mul3A_880 : i32 to f32
              %add3A_882 = vector.broadcast %convert_element_type3A_881 : f32 to vector<16xf32>
              %add3A_883 = arith.addf %add3A_882, %convert_element_type3A : vector<16xf32>
              %sub3A_884 = vector.broadcast %squeeze3A_847 : f32 to vector<16xf32>
              %sub3A_885 = arith.subf %add3A_883, %sub3A_884 : vector<16xf32>
              %mul3A_886 = arith.mulf %sub3A_885, %sub3A_885 : vector<16xf32>
              %le3A = vector.broadcast %sub3A_862 : f32 to vector<16xf32>
              %le3A_887 = arith.cmpf ole, %mul3A_886, %le3A : vector<16xf32>
              %get3A_888 = arith.constant 6 : i32
              %get3A_889 = arith.index_cast %get3A_888 : i32 to index
              %get3A_890 = arith.index_cast %mul3A_880 : i32 to index
              %get3A_891 = tpu.vector_load %arg5[%get3A_889, %get3A_890] {strides = array<i32>} : memref<8x256xf32, #tpu.memory_space<vmem>>, vector<1x16xf32>,
              %get3A_892 = vector.shape_cast %get3A_891 : vector<1x16xf32> to vector<16xf32>
              %min3A_893 = vector.broadcast %squeeze3A_851 : f32 to vector<16xf32>
              %min3A_894 = arith.minimumf %get3A_892, %min3A_893 : vector<16xf32>
              %select_n3A = arith.select %le3A_887, %min3A_894, %get3A_892 : vector<16xi1>, vector<16xf32>
              %swap3A_895 = arith.constant 6 : i32
              %swap3A_896 = arith.index_cast %swap3A_895 : i32 to index
              %swap3A_897 = arith.index_cast %mul3A_880 : i32 to index
              %swap3A_898 = tpu.vector_load %arg5[%swap3A_896, %swap3A_897] {strides = array<i32>} : memref<8x256xf32, #tpu.memory_space<vmem>>, vector<1x16xf32>,
              %swap3A_899 = vector.shape_cast %swap3A_898 : vector<1x16xf32> to vector<16xf32>
              %swap3A_900 = vector.shape_cast %select_n3A : vector<16xf32> to vector<1x16xf32>
              tpu.vector_store %arg5[%swap3A_896, %swap3A_897], %swap3A_900 {strides = array<i32>} : memref<8x256xf32, #tpu.memory_space<vmem>>, vector<1x16xf32>,
            }
          } else {
          }
        } else {
        }
      }
      %scan3A_836 = arith.constant 159 : i32
    } else {
    }
    %add3A_800 = arith.constant 0 : i32
    %add3A_801 = arith.addi %add3A, %add3A_800 : i32
    %run_scoped3A = arith.constant 0 : i32
    %run_scoped3A_802 = arith.constant 0 : i32
    "tpu.region"() ({
      %run_scoped3A_831 = tpu.sem_alloc : memref<!tpu.dma_semaphore, #tpu.memory_space<semaphore_mem>>
      %dma_start3A = arith.constant 0 : i32
      %dma_start3A_832 = tpu.memref_slice %arg5[%run_scoped3A, %dma_start3A] : memref<8x256xf32, #tpu.memory_space<vmem>> -> memref<1x256xf32, #tpu.memory_space<vmem>>
      %dma_start3A_833 = tpu.memref_squeeze %dma_start3A_832 : memref<1x256xf32, #tpu.memory_space<vmem>> -> memref<256xf32, #tpu.memory_space<vmem>>
      %dma_start3A_834 = arith.constant 0 : i32
      %dma_start3A_835 = tpu.memref_slice %arg3[%run_scoped3A_802, %add3A_801, %dma_start3A_834] : memref<1x256x256xf32, #tpu.memory_space<hbm>> -> memref<1x1x256xf32, #tpu.memory_space<hbm>>
      %dma_start3A_836 = tpu.memref_squeeze %dma_start3A_835 : memref<1x1x256xf32, #tpu.memory_space<hbm>> -> memref<256xf32, #tpu.memory_space<hbm>>
      %dma_start3A_837 = arith.constant 0 : i32
      %dma_start3A_838 = tpu.memref_slice %arg3[%run_scoped3A_802, %add3A_801, %dma_start3A_837] : memref<1x256x256xf32, #tpu.memory_space<hbm>> -> memref<1x1x256xf32, #tpu.memory_space<hbm>>
      %dma_start3A_839 = tpu.memref_squeeze %dma_start3A_838 : memref<1x1x256xf32, #tpu.memory_space<hbm>> -> memref<256xf32, #tpu.memory_space<hbm>>
      %dma_start3A_840 = arith.constant 0 : i32
      %dma_start3A_841 = tpu.memref_slice %arg5[%run_scoped3A, %dma_start3A_840] : memref<8x256xf32, #tpu.memory_space<vmem>> -> memref<1x256xf32, #tpu.memory_space<vmem>>
      %dma_start3A_842 = tpu.memref_squeeze %dma_start3A_841 : memref<1x256xf32, #tpu.memory_space<vmem>> -> memref<256xf32, #tpu.memory_space<vmem>>
      tpu.enqueue_dma source(%dma_start3A_842 : memref<256xf32, #tpu.memory_space<vmem>>) target(%dma_start3A_839 : memref<256xf32, #tpu.memory_space<hbm>>) target_semaphore(%run_scoped3A_831 : memref<!tpu.dma_semaphore, #tpu.memory_space<semaphore_mem>>)
      %dma_wait3A = arith.constant 0 : i32
      %dma_wait3A_843 = tpu.memref_slice %arg5[%run_scoped3A, %dma_wait3A] : memref<8x256xf32, #tpu.memory_space<vmem>> -> memref<1x256xf32, #tpu.memory_space<vmem>>
      %dma_wait3A_844 = tpu.memref_squeeze %dma_wait3A_843 : memref<1x256xf32, #tpu.memory_space<vmem>> -> memref<256xf32, #tpu.memory_space<vmem>>
      %dma_wait3A_845 = arith.constant 0 : i32
      %dma_wait3A_846 = tpu.memref_slice %arg3[%run_scoped3A_802, %add3A_801, %dma_wait3A_845] : memref<1x256x256xf32, #tpu.memory_space<hbm>> -> memref<1x1x256xf32, #tpu.memory_space<hbm>>
      %dma_wait3A_847 = tpu.memref_squeeze %dma_wait3A_846 : memref<1x1x256xf32, #tpu.memory_space<hbm>> -> memref<256xf32, #tpu.memory_space<hbm>>
      %dma_wait3A_848 = arith.constant 0 : i32
      %dma_wait3A_849 = tpu.memref_slice %arg3[%run_scoped3A_802, %add3A_801, %dma_wait3A_848] : memref<1x256x256xf32, #tpu.memory_space<hbm>> -> memref<1x1x256xf32, #tpu.memory_space<hbm>>
      %dma_wait3A_850 = tpu.memref_squeeze %dma_wait3A_849 : memref<1x1x256xf32, #tpu.memory_space<hbm>> -> memref<256xf32, #tpu.memory_space<hbm>>
      %dma_wait3A_851 = arith.constant 0 : i32
      %dma_wait3A_852 = tpu.memref_slice %arg5[%run_scoped3A, %dma_wait3A_851] : memref<8x256xf32, #tpu.memory_space<vmem>> -> memref<1x256xf32, #tpu.memory_space<vmem>>
      %dma_wait3A_853 = tpu.memref_squeeze %dma_wait3A_852 : memref<1x256xf32, #tpu.memory_space<vmem>> -> memref<256xf32, #tpu.memory_space<vmem>>
      tpu.wait_dma2 semaphore(%run_scoped3A_831 : memref<!tpu.dma_semaphore, #tpu.memory_space<semaphore_mem>>) src(%dma_wait3A_853 : memref<256xf32, #tpu.memory_space<vmem>>) dst(%dma_wait3A_850 : memref<256xf32, #tpu.memory_space<hbm>>)
      tpu.yield
    }) : () -> ()
    %add3A_803 = arith.constant 32 : i32
    %add3A_804 = arith.addi %add3A, %add3A_803 : i32
    %run_scoped3A_805 = arith.constant 1 : i32
    %run_scoped3A_806 = arith.constant 0 : i32
    "tpu.region"() ({
      %run_scoped3A_831 = tpu.sem_alloc : memref<!tpu.dma_semaphore, #tpu.memory_space<semaphore_mem>>
      %dma_start3A = arith.constant 0 : i32
      %dma_start3A_832 = tpu.memref_slice %arg5[%run_scoped3A_805, %dma_start3A] : memref<8x256xf32, #tpu.memory_space<vmem>> -> memref<1x256xf32, #tpu.memory_space<vmem>>
      %dma_start3A_833 = tpu.memref_squeeze %dma_start3A_832 : memref<1x256xf32, #tpu.memory_space<vmem>> -> memref<256xf32, #tpu.memory_space<vmem>>
      %dma_start3A_834 = arith.constant 0 : i32
      %dma_start3A_835 = tpu.memref_slice %arg3[%run_scoped3A_806, %add3A_804, %dma_start3A_834] : memref<1x256x256xf32, #tpu.memory_space<hbm>> -> memref<1x1x256xf32, #tpu.memory_space<hbm>>
      %dma_start3A_836 = tpu.memref_squeeze %dma_start3A_835 : memref<1x1x256xf32, #tpu.memory_space<hbm>> -> memref<256xf32, #tpu.memory_space<hbm>>
      %dma_start3A_837 = arith.constant 0 : i32
      %dma_start3A_838 = tpu.memref_slice %arg3[%run_scoped3A_806, %add3A_804, %dma_start3A_837] : memref<1x256x256xf32, #tpu.memory_space<hbm>> -> memref<1x1x256xf32, #tpu.memory_space<hbm>>
      %dma_start3A_839 = tpu.memref_squeeze %dma_start3A_838 : memref<1x1x256xf32, #tpu.memory_space<hbm>> -> memref<256xf32, #tpu.memory_space<hbm>>
      %dma_start3A_840 = arith.constant 0 : i32
      %dma_start3A_841 = tpu.memref_slice %arg5[%run_scoped3A_805, %dma_start3A_840] : memref<8x256xf32, #tpu.memory_space<vmem>> -> memref<1x256xf32, #tpu.memory_space<vmem>>
      %dma_start3A_842 = tpu.memref_squeeze %dma_start3A_841 : memref<1x256xf32, #tpu.memory_space<vmem>> -> memref<256xf32, #tpu.memory_space<vmem>>
      tpu.enqueue_dma source(%dma_start3A_842 : memref<256xf32, #tpu.memory_space<vmem>>) target(%dma_start3A_839 : memref<256xf32, #tpu.memory_space<hbm>>) target_semaphore(%run_scoped3A_831 : memref<!tpu.dma_semaphore, #tpu.memory_space<semaphore_mem>>)
      %dma_wait3A = arith.constant 0 : i32
      %dma_wait3A_843 = tpu.memref_slice %arg5[%run_scoped3A_805, %dma_wait3A] : memref<8x256xf32, #tpu.memory_space<vmem>> -> memref<1x256xf32, #tpu.memory_space<vmem>>
      %dma_wait3A_844 = tpu.memref_squeeze %dma_wait3A_843 : memref<1x256xf32, #tpu.memory_space<vmem>> -> memref<256xf32, #tpu.memory_space<vmem>>
      %dma_wait3A_845 = arith.constant 0 : i32
      %dma_wait3A_846 = tpu.memref_slice %arg3[%run_scoped3A_806, %add3A_804, %dma_wait3A_845] : memref<1x256x256xf32, #tpu.memory_space<hbm>> -> memref<1x1x256xf32, #tpu.memory_space<hbm>>
      %dma_wait3A_847 = tpu.memref_squeeze %dma_wait3A_846 : memref<1x1x256xf32, #tpu.memory_space<hbm>> -> memref<256xf32, #tpu.memory_space<hbm>>
      %dma_wait3A_848 = arith.constant 0 : i32
      %dma_wait3A_849 = tpu.memref_slice %arg3[%run_scoped3A_806, %add3A_804, %dma_wait3A_848] : memref<1x256x256xf32, #tpu.memory_space<hbm>> -> memref<1x1x256xf32, #tpu.memory_space<hbm>>
      %dma_wait3A_850 = tpu.memref_squeeze %dma_wait3A_849 : memref<1x1x256xf32, #tpu.memory_space<hbm>> -> memref<256xf32, #tpu.memory_space<hbm>>
      %dma_wait3A_851 = arith.constant 0 : i32
      %dma_wait3A_852 = tpu.memref_slice %arg5[%run_scoped3A_805, %dma_wait3A_851] : memref<8x256xf32, #tpu.memory_space<vmem>> -> memref<1x256xf32, #tpu.memory_space<vmem>>
      %dma_wait3A_853 = tpu.memref_squeeze %dma_wait3A_852 : memref<1x256xf32, #tpu.memory_space<vmem>> -> memref<256xf32, #tpu.memory_space<vmem>>
      tpu.wait_dma2 semaphore(%run_scoped3A_831 : memref<!tpu.dma_semaphore, #tpu.memory_space<semaphore_mem>>) src(%dma_wait3A_853 : memref<256xf32, #tpu.memory_space<vmem>>) dst(%dma_wait3A_850 : memref<256xf32, #tpu.memory_space<hbm>>)
      tpu.yield
    }) : () -> ()
    %add3A_807 = arith.constant 64 : i32
    %add3A_808 = arith.addi %add3A, %add3A_807 : i32
    %run_scoped3A_809 = arith.constant 2 : i32
    %run_scoped3A_810 = arith.constant 0 : i32
    "tpu.region"() ({
      %run_scoped3A_831 = tpu.sem_alloc : memref<!tpu.dma_semaphore, #tpu.memory_space<semaphore_mem>>
      %dma_start3A = arith.constant 0 : i32
      %dma_start3A_832 = tpu.memref_slice %arg5[%run_scoped3A_809, %dma_start3A] : memref<8x256xf32, #tpu.memory_space<vmem>> -> memref<1x256xf32, #tpu.memory_space<vmem>>
      %dma_start3A_833 = tpu.memref_squeeze %dma_start3A_832 : memref<1x256xf32, #tpu.memory_space<vmem>> -> memref<256xf32, #tpu.memory_space<vmem>>
      %dma_start3A_834 = arith.constant 0 : i32
      %dma_start3A_835 = tpu.memref_slice %arg3[%run_scoped3A_810, %add3A_808, %dma_start3A_834] : memref<1x256x256xf32, #tpu.memory_space<hbm>> -> memref<1x1x256xf32, #tpu.memory_space<hbm>>
      %dma_start3A_836 = tpu.memref_squeeze %dma_start3A_835 : memref<1x1x256xf32, #tpu.memory_space<hbm>> -> memref<256xf32, #tpu.memory_space<hbm>>
      %dma_start3A_837 = arith.constant 0 : i32
      %dma_start3A_838 = tpu.memref_slice %arg3[%run_scoped3A_810, %add3A_808, %dma_start3A_837] : memref<1x256x256xf32, #tpu.memory_space<hbm>> -> memref<1x1x256xf32, #tpu.memory_space<hbm>>
      %dma_start3A_839 = tpu.memref_squeeze %dma_start3A_838 : memref<1x1x256xf32, #tpu.memory_space<hbm>> -> memref<256xf32, #tpu.memory_space<hbm>>
      %dma_start3A_840 = arith.constant 0 : i32
      %dma_start3A_841 = tpu.memref_slice %arg5[%run_scoped3A_809, %dma_start3A_840] : memref<8x256xf32, #tpu.memory_space<vmem>> -> memref<1x256xf32, #tpu.memory_space<vmem>>
      %dma_start3A_842 = tpu.memref_squeeze %dma_start3A_841 : memref<1x256xf32, #tpu.memory_space<vmem>> -> memref<256xf32, #tpu.memory_space<vmem>>
      tpu.enqueue_dma source(%dma_start3A_842 : memref<256xf32, #tpu.memory_space<vmem>>) target(%dma_start3A_839 : memref<256xf32, #tpu.memory_space<hbm>>) target_semaphore(%run_scoped3A_831 : memref<!tpu.dma_semaphore, #tpu.memory_space<semaphore_mem>>)
      %dma_wait3A = arith.constant 0 : i32
      %dma_wait3A_843 = tpu.memref_slice %arg5[%run_scoped3A_809, %dma_wait3A] : memref<8x256xf32, #tpu.memory_space<vmem>> -> memref<1x256xf32, #tpu.memory_space<vmem>>
      %dma_wait3A_844 = tpu.memref_squeeze %dma_wait3A_843 : memref<1x256xf32, #tpu.memory_space<vmem>> -> memref<256xf32, #tpu.memory_space<vmem>>
      %dma_wait3A_845 = arith.constant 0 : i32
      %dma_wait3A_846 = tpu.memref_slice %arg3[%run_scoped3A_810, %add3A_808, %dma_wait3A_845] : memref<1x256x256xf32, #tpu.memory_space<hbm>> -> memref<1x1x256xf32, #tpu.memory_space<hbm>>
      %dma_wait3A_847 = tpu.memref_squeeze %dma_wait3A_846 : memref<1x1x256xf32, #tpu.memory_space<hbm>> -> memref<256xf32, #tpu.memory_space<hbm>>
      %dma_wait3A_848 = arith.constant 0 : i32
      %dma_wait3A_849 = tpu.memref_slice %arg3[%run_scoped3A_810, %add3A_808, %dma_wait3A_848] : memref<1x256x256xf32, #tpu.memory_space<hbm>> -> memref<1x1x256xf32, #tpu.memory_space<hbm>>
      %dma_wait3A_850 = tpu.memref_squeeze %dma_wait3A_849 : memref<1x1x256xf32, #tpu.memory_space<hbm>> -> memref<256xf32, #tpu.memory_space<hbm>>
      %dma_wait3A_851 = arith.constant 0 : i32
      %dma_wait3A_852 = tpu.memref_slice %arg5[%run_scoped3A_809, %dma_wait3A_851] : memref<8x256xf32, #tpu.memory_space<vmem>> -> memref<1x256xf32, #tpu.memory_space<vmem>>
      %dma_wait3A_853 = tpu.memref_squeeze %dma_wait3A_852 : memref<1x256xf32, #tpu.memory_space<vmem>> -> memref<256xf32, #tpu.memory_space<vmem>>
      tpu.wait_dma2 semaphore(%run_scoped3A_831 : memref<!tpu.dma_semaphore, #tpu.memory_space<semaphore_mem>>) src(%dma_wait3A_853 : memref<256xf32, #tpu.memory_space<vmem>>) dst(%dma_wait3A_850 : memref<256xf32, #tpu.memory_space<hbm>>)
      tpu.yield
    }) : () -> ()
    %add3A_811 = arith.constant 96 : i32
    %add3A_812 = arith.addi %add3A, %add3A_811 : i32
    %run_scoped3A_813 = arith.constant 3 : i32
    %run_scoped3A_814 = arith.constant 0 : i32
    "tpu.region"() ({
      %run_scoped3A_831 = tpu.sem_alloc : memref<!tpu.dma_semaphore, #tpu.memory_space<semaphore_mem>>
      %dma_start3A = arith.constant 0 : i32
      %dma_start3A_832 = tpu.memref_slice %arg5[%run_scoped3A_813, %dma_start3A] : memref<8x256xf32, #tpu.memory_space<vmem>> -> memref<1x256xf32, #tpu.memory_space<vmem>>
      %dma_start3A_833 = tpu.memref_squeeze %dma_start3A_832 : memref<1x256xf32, #tpu.memory_space<vmem>> -> memref<256xf32, #tpu.memory_space<vmem>>
      %dma_start3A_834 = arith.constant 0 : i32
      %dma_start3A_835 = tpu.memref_slice %arg3[%run_scoped3A_814, %add3A_812, %dma_start3A_834] : memref<1x256x256xf32, #tpu.memory_space<hbm>> -> memref<1x1x256xf32, #tpu.memory_space<hbm>>
      %dma_start3A_836 = tpu.memref_squeeze %dma_start3A_835 : memref<1x1x256xf32, #tpu.memory_space<hbm>> -> memref<256xf32, #tpu.memory_space<hbm>>
      %dma_start3A_837 = arith.constant 0 : i32
      %dma_start3A_838 = tpu.memref_slice %arg3[%run_scoped3A_814, %add3A_812, %dma_start3A_837] : memref<1x256x256xf32, #tpu.memory_space<hbm>> -> memref<1x1x256xf32, #tpu.memory_space<hbm>>
      %dma_start3A_839 = tpu.memref_squeeze %dma_start3A_838 : memref<1x1x256xf32, #tpu.memory_space<hbm>> -> memref<256xf32, #tpu.memory_space<hbm>>
      %dma_start3A_840 = arith.constant 0 : i32
      %dma_start3A_841 = tpu.memref_slice %arg5[%run_scoped3A_813, %dma_start3A_840] : memref<8x256xf32, #tpu.memory_space<vmem>> -> memref<1x256xf32, #tpu.memory_space<vmem>>
      %dma_start3A_842 = tpu.memref_squeeze %dma_start3A_841 : memref<1x256xf32, #tpu.memory_space<vmem>> -> memref<256xf32, #tpu.memory_space<vmem>>
      tpu.enqueue_dma source(%dma_start3A_842 : memref<256xf32, #tpu.memory_space<vmem>>) target(%dma_start3A_839 : memref<256xf32, #tpu.memory_space<hbm>>) target_semaphore(%run_scoped3A_831 : memref<!tpu.dma_semaphore, #tpu.memory_space<semaphore_mem>>)
      %dma_wait3A = arith.constant 0 : i32
      %dma_wait3A_843 = tpu.memref_slice %arg5[%run_scoped3A_813, %dma_wait3A] : memref<8x256xf32, #tpu.memory_space<vmem>> -> memref<1x256xf32, #tpu.memory_space<vmem>>
      %dma_wait3A_844 = tpu.memref_squeeze %dma_wait3A_843 : memref<1x256xf32, #tpu.memory_space<vmem>> -> memref<256xf32, #tpu.memory_space<vmem>>
      %dma_wait3A_845 = arith.constant 0 : i32
      %dma_wait3A_846 = tpu.memref_slice %arg3[%run_scoped3A_814, %add3A_812, %dma_wait3A_845] : memref<1x256x256xf32, #tpu.memory_space<hbm>> -> memref<1x1x256xf32, #tpu.memory_space<hbm>>
      %dma_wait3A_847 = tpu.memref_squeeze %dma_wait3A_846 : memref<1x1x256xf32, #tpu.memory_space<hbm>> -> memref<256xf32, #tpu.memory_space<hbm>>
      %dma_wait3A_848 = arith.constant 0 : i32
      %dma_wait3A_849 = tpu.memref_slice %arg3[%run_scoped3A_814, %add3A_812, %dma_wait3A_848] : memref<1x256x256xf32, #tpu.memory_space<hbm>> -> memref<1x1x256xf32, #tpu.memory_space<hbm>>
      %dma_wait3A_850 = tpu.memref_squeeze %dma_wait3A_849 : memref<1x1x256xf32, #tpu.memory_space<hbm>> -> memref<256xf32, #tpu.memory_space<hbm>>
      %dma_wait3A_851 = arith.constant 0 : i32
      %dma_wait3A_852 = tpu.memref_slice %arg5[%run_scoped3A_813, %dma_wait3A_851] : memref<8x256xf32, #tpu.memory_space<vmem>> -> memref<1x256xf32, #tpu.memory_space<vmem>>
      %dma_wait3A_853 = tpu.memref_squeeze %dma_wait3A_852 : memref<1x256xf32, #tpu.memory_space<vmem>> -> memref<256xf32, #tpu.memory_space<vmem>>
      tpu.wait_dma2 semaphore(%run_scoped3A_831 : memref<!tpu.dma_semaphore, #tpu.memory_space<semaphore_mem>>) src(%dma_wait3A_853 : memref<256xf32, #tpu.memory_space<vmem>>) dst(%dma_wait3A_850 : memref<256xf32, #tpu.memory_space<hbm>>)
      tpu.yield
    }) : () -> ()
    %add3A_815 = arith.constant 128 : i32
    %add3A_816 = arith.addi %add3A, %add3A_815 : i32
    %run_scoped3A_817 = arith.constant 4 : i32
    %run_scoped3A_818 = arith.constant 0 : i32
    "tpu.region"() ({
      %run_scoped3A_831 = tpu.sem_alloc : memref<!tpu.dma_semaphore, #tpu.memory_space<semaphore_mem>>
      %dma_start3A = arith.constant 0 : i32
      %dma_start3A_832 = tpu.memref_slice %arg5[%run_scoped3A_817, %dma_start3A] : memref<8x256xf32, #tpu.memory_space<vmem>> -> memref<1x256xf32, #tpu.memory_space<vmem>>
      %dma_start3A_833 = tpu.memref_squeeze %dma_start3A_832 : memref<1x256xf32, #tpu.memory_space<vmem>> -> memref<256xf32, #tpu.memory_space<vmem>>
      %dma_start3A_834 = arith.constant 0 : i32
      %dma_start3A_835 = tpu.memref_slice %arg3[%run_scoped3A_818, %add3A_816, %dma_start3A_834] : memref<1x256x256xf32, #tpu.memory_space<hbm>> -> memref<1x1x256xf32, #tpu.memory_space<hbm>>
      %dma_start3A_836 = tpu.memref_squeeze %dma_start3A_835 : memref<1x1x256xf32, #tpu.memory_space<hbm>> -> memref<256xf32, #tpu.memory_space<hbm>>
      %dma_start3A_837 = arith.constant 0 : i32
      %dma_start3A_838 = tpu.memref_slice %arg3[%run_scoped3A_818, %add3A_816, %dma_start3A_837] : memref<1x256x256xf32, #tpu.memory_space<hbm>> -> memref<1x1x256xf32, #tpu.memory_space<hbm>>
      %dma_start3A_839 = tpu.memref_squeeze %dma_start3A_838 : memref<1x1x256xf32, #tpu.memory_space<hbm>> -> memref<256xf32, #tpu.memory_space<hbm>>
      %dma_start3A_840 = arith.constant 0 : i32
      %dma_start3A_841 = tpu.memref_slice %arg5[%run_scoped3A_817, %dma_start3A_840] : memref<8x256xf32, #tpu.memory_space<vmem>> -> memref<1x256xf32, #tpu.memory_space<vmem>>
      %dma_start3A_842 = tpu.memref_squeeze %dma_start3A_841 : memref<1x256xf32, #tpu.memory_space<vmem>> -> memref<256xf32, #tpu.memory_space<vmem>>
      tpu.enqueue_dma source(%dma_start3A_842 : memref<256xf32, #tpu.memory_space<vmem>>) target(%dma_start3A_839 : memref<256xf32, #tpu.memory_space<hbm>>) target_semaphore(%run_scoped3A_831 : memref<!tpu.dma_semaphore, #tpu.memory_space<semaphore_mem>>)
      %dma_wait3A = arith.constant 0 : i32
      %dma_wait3A_843 = tpu.memref_slice %arg5[%run_scoped3A_817, %dma_wait3A] : memref<8x256xf32, #tpu.memory_space<vmem>> -> memref<1x256xf32, #tpu.memory_space<vmem>>
      %dma_wait3A_844 = tpu.memref_squeeze %dma_wait3A_843 : memref<1x256xf32, #tpu.memory_space<vmem>> -> memref<256xf32, #tpu.memory_space<vmem>>
      %dma_wait3A_845 = arith.constant 0 : i32
      %dma_wait3A_846 = tpu.memref_slice %arg3[%run_scoped3A_818, %add3A_816, %dma_wait3A_845] : memref<1x256x256xf32, #tpu.memory_space<hbm>> -> memref<1x1x256xf32, #tpu.memory_space<hbm>>
      %dma_wait3A_847 = tpu.memref_squeeze %dma_wait3A_846 : memref<1x1x256xf32, #tpu.memory_space<hbm>> -> memref<256xf32, #tpu.memory_space<hbm>>
      %dma_wait3A_848 = arith.constant 0 : i32
      %dma_wait3A_849 = tpu.memref_slice %arg3[%run_scoped3A_818, %add3A_816, %dma_wait3A_848] : memref<1x256x256xf32, #tpu.memory_space<hbm>> -> memref<1x1x256xf32, #tpu.memory_space<hbm>>
      %dma_wait3A_850 = tpu.memref_squeeze %dma_wait3A_849 : memref<1x1x256xf32, #tpu.memory_space<hbm>> -> memref<256xf32, #tpu.memory_space<hbm>>
      %dma_wait3A_851 = arith.constant 0 : i32
      %dma_wait3A_852 = tpu.memref_slice %arg5[%run_scoped3A_817, %dma_wait3A_851] : memref<8x256xf32, #tpu.memory_space<vmem>> -> memref<1x256xf32, #tpu.memory_space<vmem>>
      %dma_wait3A_853 = tpu.memref_squeeze %dma_wait3A_852 : memref<1x256xf32, #tpu.memory_space<vmem>> -> memref<256xf32, #tpu.memory_space<vmem>>
      tpu.wait_dma2 semaphore(%run_scoped3A_831 : memref<!tpu.dma_semaphore, #tpu.memory_space<semaphore_mem>>) src(%dma_wait3A_853 : memref<256xf32, #tpu.memory_space<vmem>>) dst(%dma_wait3A_850 : memref<256xf32, #tpu.memory_space<hbm>>)
      tpu.yield
    }) : () -> ()
    %add3A_819 = arith.constant 160 : i32
    %add3A_820 = arith.addi %add3A, %add3A_819 : i32
    %run_scoped3A_821 = arith.constant 5 : i32
    %run_scoped3A_822 = arith.constant 0 : i32
    "tpu.region"() ({
      %run_scoped3A_831 = tpu.sem_alloc : memref<!tpu.dma_semaphore, #tpu.memory_space<semaphore_mem>>
      %dma_start3A = arith.constant 0 : i32
      %dma_start3A_832 = tpu.memref_slice %arg5[%run_scoped3A_821, %dma_start3A] : memref<8x256xf32, #tpu.memory_space<vmem>> -> memref<1x256xf32, #tpu.memory_space<vmem>>
      %dma_start3A_833 = tpu.memref_squeeze %dma_start3A_832 : memref<1x256xf32, #tpu.memory_space<vmem>> -> memref<256xf32, #tpu.memory_space<vmem>>
      %dma_start3A_834 = arith.constant 0 : i32
      %dma_start3A_835 = tpu.memref_slice %arg3[%run_scoped3A_822, %add3A_820, %dma_start3A_834] : memref<1x256x256xf32, #tpu.memory_space<hbm>> -> memref<1x1x256xf32, #tpu.memory_space<hbm>>
      %dma_start3A_836 = tpu.memref_squeeze %dma_start3A_835 : memref<1x1x256xf32, #tpu.memory_space<hbm>> -> memref<256xf32, #tpu.memory_space<hbm>>
      %dma_start3A_837 = arith.constant 0 : i32
      %dma_start3A_838 = tpu.memref_slice %arg3[%run_scoped3A_822, %add3A_820, %dma_start3A_837] : memref<1x256x256xf32, #tpu.memory_space<hbm>> -> memref<1x1x256xf32, #tpu.memory_space<hbm>>
      %dma_start3A_839 = tpu.memref_squeeze %dma_start3A_838 : memref<1x1x256xf32, #tpu.memory_space<hbm>> -> memref<256xf32, #tpu.memory_space<hbm>>
      %dma_start3A_840 = arith.constant 0 : i32
      %dma_start3A_841 = tpu.memref_slice %arg5[%run_scoped3A_821, %dma_start3A_840] : memref<8x256xf32, #tpu.memory_space<vmem>> -> memref<1x256xf32, #tpu.memory_space<vmem>>
      %dma_start3A_842 = tpu.memref_squeeze %dma_start3A_841 : memref<1x256xf32, #tpu.memory_space<vmem>> -> memref<256xf32, #tpu.memory_space<vmem>>
      tpu.enqueue_dma source(%dma_start3A_842 : memref<256xf32, #tpu.memory_space<vmem>>) target(%dma_start3A_839 : memref<256xf32, #tpu.memory_space<hbm>>) target_semaphore(%run_scoped3A_831 : memref<!tpu.dma_semaphore, #tpu.memory_space<semaphore_mem>>)
      %dma_wait3A = arith.constant 0 : i32
      %dma_wait3A_843 = tpu.memref_slice %arg5[%run_scoped3A_821, %dma_wait3A] : memref<8x256xf32, #tpu.memory_space<vmem>> -> memref<1x256xf32, #tpu.memory_space<vmem>>
      %dma_wait3A_844 = tpu.memref_squeeze %dma_wait3A_843 : memref<1x256xf32, #tpu.memory_space<vmem>> -> memref<256xf32, #tpu.memory_space<vmem>>
      %dma_wait3A_845 = arith.constant 0 : i32
      %dma_wait3A_846 = tpu.memref_slice %arg3[%run_scoped3A_822, %add3A_820, %dma_wait3A_845] : memref<1x256x256xf32, #tpu.memory_space<hbm>> -> memref<1x1x256xf32, #tpu.memory_space<hbm>>
      %dma_wait3A_847 = tpu.memref_squeeze %dma_wait3A_846 : memref<1x1x256xf32, #tpu.memory_space<hbm>> -> memref<256xf32, #tpu.memory_space<hbm>>
      %dma_wait3A_848 = arith.constant 0 : i32
      %dma_wait3A_849 = tpu.memref_slice %arg3[%run_scoped3A_822, %add3A_820, %dma_wait3A_848] : memref<1x256x256xf32, #tpu.memory_space<hbm>> -> memref<1x1x256xf32, #tpu.memory_space<hbm>>
      %dma_wait3A_850 = tpu.memref_squeeze %dma_wait3A_849 : memref<1x1x256xf32, #tpu.memory_space<hbm>> -> memref<256xf32, #tpu.memory_space<hbm>>
      %dma_wait3A_851 = arith.constant 0 : i32
      %dma_wait3A_852 = tpu.memref_slice %arg5[%run_scoped3A_821, %dma_wait3A_851] : memref<8x256xf32, #tpu.memory_space<vmem>> -> memref<1x256xf32, #tpu.memory_space<vmem>>
      %dma_wait3A_853 = tpu.memref_squeeze %dma_wait3A_852 : memref<1x256xf32, #tpu.memory_space<vmem>> -> memref<256xf32, #tpu.memory_space<vmem>>
      tpu.wait_dma2 semaphore(%run_scoped3A_831 : memref<!tpu.dma_semaphore, #tpu.memory_space<semaphore_mem>>) src(%dma_wait3A_853 : memref<256xf32, #tpu.memory_space<vmem>>) dst(%dma_wait3A_850 : memref<256xf32, #tpu.memory_space<hbm>>)
      tpu.yield
    }) : () -> ()
    %add3A_823 = arith.constant 192 : i32
    %add3A_824 = arith.addi %add3A, %add3A_823 : i32
    %run_scoped3A_825 = arith.constant 6 : i32
    %run_scoped3A_826 = arith.constant 0 : i32
    "tpu.region"() ({
      %run_scoped3A_831 = tpu.sem_alloc : memref<!tpu.dma_semaphore, #tpu.memory_space<semaphore_mem>>
      %dma_start3A = arith.constant 0 : i32
      %dma_start3A_832 = tpu.memref_slice %arg5[%run_scoped3A_825, %dma_start3A] : memref<8x256xf32, #tpu.memory_space<vmem>> -> memref<1x256xf32, #tpu.memory_space<vmem>>
      %dma_start3A_833 = tpu.memref_squeeze %dma_start3A_832 : memref<1x256xf32, #tpu.memory_space<vmem>> -> memref<256xf32, #tpu.memory_space<vmem>>
      %dma_start3A_834 = arith.constant 0 : i32
      %dma_start3A_835 = tpu.memref_slice %arg3[%run_scoped3A_826, %add3A_824, %dma_start3A_834] : memref<1x256x256xf32, #tpu.memory_space<hbm>> -> memref<1x1x256xf32, #tpu.memory_space<hbm>>
      %dma_start3A_836 = tpu.memref_squeeze %dma_start3A_835 : memref<1x1x256xf32, #tpu.memory_space<hbm>> -> memref<256xf32, #tpu.memory_space<hbm>>
      %dma_start3A_837 = arith.constant 0 : i32
      %dma_start3A_838 = tpu.memref_slice %arg3[%run_scoped3A_826, %add3A_824, %dma_start3A_837] : memref<1x256x256xf32, #tpu.memory_space<hbm>> -> memref<1x1x256xf32, #tpu.memory_space<hbm>>
      %dma_start3A_839 = tpu.memref_squeeze %dma_start3A_838 : memref<1x1x256xf32, #tpu.memory_space<hbm>> -> memref<256xf32, #tpu.memory_space<hbm>>
      %dma_start3A_840 = arith.constant 0 : i32
      %dma_start3A_841 = tpu.memref_slice %arg5[%run_scoped3A_825, %dma_start3A_840] : memref<8x256xf32, #tpu.memory_space<vmem>> -> memref<1x256xf32, #tpu.memory_space<vmem>>
      %dma_start3A_842 = tpu.memref_squeeze %dma_start3A_841 : memref<1x256xf32, #tpu.memory_space<vmem>> -> memref<256xf32, #tpu.memory_space<vmem>>
      tpu.enqueue_dma source(%dma_start3A_842 : memref<256xf32, #tpu.memory_space<vmem>>) target(%dma_start3A_839 : memref<256xf32, #tpu.memory_space<hbm>>) target_semaphore(%run_scoped3A_831 : memref<!tpu.dma_semaphore, #tpu.memory_space<semaphore_mem>>)
      %dma_wait3A = arith.constant 0 : i32
      %dma_wait3A_843 = tpu.memref_slice %arg5[%run_scoped3A_825, %dma_wait3A] : memref<8x256xf32, #tpu.memory_space<vmem>> -> memref<1x256xf32, #tpu.memory_space<vmem>>
      %dma_wait3A_844 = tpu.memref_squeeze %dma_wait3A_843 : memref<1x256xf32, #tpu.memory_space<vmem>> -> memref<256xf32, #tpu.memory_space<vmem>>
      %dma_wait3A_845 = arith.constant 0 : i32
      %dma_wait3A_846 = tpu.memref_slice %arg3[%run_scoped3A_826, %add3A_824, %dma_wait3A_845] : memref<1x256x256xf32, #tpu.memory_space<hbm>> -> memref<1x1x256xf32, #tpu.memory_space<hbm>>
      %dma_wait3A_847 = tpu.memref_squeeze %dma_wait3A_846 : memref<1x1x256xf32, #tpu.memory_space<hbm>> -> memref<256xf32, #tpu.memory_space<hbm>>
      %dma_wait3A_848 = arith.constant 0 : i32
      %dma_wait3A_849 = tpu.memref_slice %arg3[%run_scoped3A_826, %add3A_824, %dma_wait3A_848] : memref<1x256x256xf32, #tpu.memory_space<hbm>> -> memref<1x1x256xf32, #tpu.memory_space<hbm>>
      %dma_wait3A_850 = tpu.memref_squeeze %dma_wait3A_849 : memref<1x1x256xf32, #tpu.memory_space<hbm>> -> memref<256xf32, #tpu.memory_space<hbm>>
      %dma_wait3A_851 = arith.constant 0 : i32
      %dma_wait3A_852 = tpu.memref_slice %arg5[%run_scoped3A_825, %dma_wait3A_851] : memref<8x256xf32, #tpu.memory_space<vmem>> -> memref<1x256xf32, #tpu.memory_space<vmem>>
      %dma_wait3A_853 = tpu.memref_squeeze %dma_wait3A_852 : memref<1x256xf32, #tpu.memory_space<vmem>> -> memref<256xf32, #tpu.memory_space<vmem>>
      tpu.wait_dma2 semaphore(%run_scoped3A_831 : memref<!tpu.dma_semaphore, #tpu.memory_space<semaphore_mem>>) src(%dma_wait3A_853 : memref<256xf32, #tpu.memory_space<vmem>>) dst(%dma_wait3A_850 : memref<256xf32, #tpu.memory_space<hbm>>)
      tpu.yield
    }) : () -> ()
    %add3A_827 = arith.constant 224 : i32
    %add3A_828 = arith.addi %add3A, %add3A_827 : i32
    %run_scoped3A_829 = arith.constant 7 : i32
    %run_scoped3A_830 = arith.constant 0 : i32
    "tpu.region"() ({
      %run_scoped3A_831 = tpu.sem_alloc : memref<!tpu.dma_semaphore, #tpu.memory_space<semaphore_mem>>
      %dma_start3A = arith.constant 0 : i32
      %dma_start3A_832 = tpu.memref_slice %arg5[%run_scoped3A_829, %dma_start3A] : memref<8x256xf32, #tpu.memory_space<vmem>> -> memref<1x256xf32, #tpu.memory_space<vmem>>
      %dma_start3A_833 = tpu.memref_squeeze %dma_start3A_832 : memref<1x256xf32, #tpu.memory_space<vmem>> -> memref<256xf32, #tpu.memory_space<vmem>>
      %dma_start3A_834 = arith.constant 0 : i32
      %dma_start3A_835 = tpu.memref_slice %arg3[%run_scoped3A_830, %add3A_828, %dma_start3A_834] : memref<1x256x256xf32, #tpu.memory_space<hbm>> -> memref<1x1x256xf32, #tpu.memory_space<hbm>>
      %dma_start3A_836 = tpu.memref_squeeze %dma_start3A_835 : memref<1x1x256xf32, #tpu.memory_space<hbm>> -> memref<256xf32, #tpu.memory_space<hbm>>
      %dma_start3A_837 = arith.constant 0 : i32
      %dma_start3A_838 = tpu.memref_slice %arg3[%run_scoped3A_830, %add3A_828, %dma_start3A_837] : memref<1x256x256xf32, #tpu.memory_space<hbm>> -> memref<1x1x256xf32, #tpu.memory_space<hbm>>
      %dma_start3A_839 = tpu.memref_squeeze %dma_start3A_838 : memref<1x1x256xf32, #tpu.memory_space<hbm>> -> memref<256xf32, #tpu.memory_space<hbm>>
      %dma_start3A_840 = arith.constant 0 : i32
      %dma_start3A_841 = tpu.memref_slice %arg5[%run_scoped3A_829, %dma_start3A_840] : memref<8x256xf32, #tpu.memory_space<vmem>> -> memref<1x256xf32, #tpu.memory_space<vmem>>
      %dma_start3A_842 = tpu.memref_squeeze %dma_start3A_841 : memref<1x256xf32, #tpu.memory_space<vmem>> -> memref<256xf32, #tpu.memory_space<vmem>>
      tpu.enqueue_dma source(%dma_start3A_842 : memref<256xf32, #tpu.memory_space<vmem>>) target(%dma_start3A_839 : memref<256xf32, #tpu.memory_space<hbm>>) target_semaphore(%run_scoped3A_831 : memref<!tpu.dma_semaphore, #tpu.memory_space<semaphore_mem>>)
      %dma_wait3A = arith.constant 0 : i32
      %dma_wait3A_843 = tpu.memref_slice %arg5[%run_scoped3A_829, %dma_wait3A] : memref<8x256xf32, #tpu.memory_space<vmem>> -> memref<1x256xf32, #tpu.memory_space<vmem>>
      %dma_wait3A_844 = tpu.memref_squeeze %dma_wait3A_843 : memref<1x256xf32, #tpu.memory_space<vmem>> -> memref<256xf32, #tpu.memory_space<vmem>>
      %dma_wait3A_845 = arith.constant 0 : i32
      %dma_wait3A_846 = tpu.memref_slice %arg3[%run_scoped3A_830, %add3A_828, %dma_wait3A_845] : memref<1x256x256xf32, #tpu.memory_space<hbm>> -> memref<1x1x256xf32, #tpu.memory_space<hbm>>
      %dma_wait3A_847 = tpu.memref_squeeze %dma_wait3A_846 : memref<1x1x256xf32, #tpu.memory_space<hbm>> -> memref<256xf32, #tpu.memory_space<hbm>>
      %dma_wait3A_848 = arith.constant 0 : i32
      %dma_wait3A_849 = tpu.memref_slice %arg3[%run_scoped3A_830, %add3A_828, %dma_wait3A_848] : memref<1x256x256xf32, #tpu.memory_space<hbm>> -> memref<1x1x256xf32, #tpu.memory_space<hbm>>
      %dma_wait3A_850 = tpu.memref_squeeze %dma_wait3A_849 : memref<1x1x256xf32, #tpu.memory_space<hbm>> -> memref<256xf32, #tpu.memory_space<hbm>>
      %dma_wait3A_851 = arith.constant 0 : i32
      %dma_wait3A_852 = tpu.memref_slice %arg5[%run_scoped3A_829, %dma_wait3A_851] : memref<8x256xf32, #tpu.memory_space<vmem>> -> memref<1x256xf32, #tpu.memory_space<vmem>>
      %dma_wait3A_853 = tpu.memref_squeeze %dma_wait3A_852 : memref<1x256xf32, #tpu.memory_space<vmem>> -> memref<256xf32, #tpu.memory_space<vmem>>
      tpu.wait_dma2 semaphore(%run_scoped3A_831 : memref<!tpu.dma_semaphore, #tpu.memory_space<semaphore_mem>>) src(%dma_wait3A_853 : memref<256xf32, #tpu.memory_space<vmem>>) dst(%dma_wait3A_850 : memref<256xf32, #tpu.memory_space<hbm>>)
      tpu.yield
    }) : () -> ()
    return
  }
}

</mosaic_0001>

<sc_bundles>
// kernel: kernel.3.cloned.1.call-start
scs
__scs_entry_jumppad:
0x0: {  	(pc) =	sbr.rel $0x88, $3  }
0x1: {  	(tag) =	ssettag $0x0;
	lr =	simm.s32 $0x1  }
0x2: {  	[smem:$0x3F9D] =	sst lr;
	_ =	strace $0xD0000000  }
0x3: {  	_ = 	snop  }
0x4: {  	_ = 	snop  }
0x5: {  	_ = 	snop  }
0x6: {  	_ = 	snop  }
0x7: {  	_ = 	snop  }
__scs_overlays_trampoline_lowered:
0x8: {  	[smem:$0x3FAC] =	sst s0  }
0x9: {  	[smem:$0x3FAD] =	sst s1  }
0xa: {  	[smem:$0x3FAE] =	sst s2  }
0xb: {  	[smem:$0x3FAF] =	sst s3  }
0xc: {  	[smem:$0x3FB0] =	sst s4  }
0xd: {  	[smem:$0x3FB1] =	sst s5  }
0xe: {  	[smem:$0x3FB2] =	sst s6  }
0xf: {  	[smem:$0x3FB3] =	sst s7  }
0x10: {  	[smem:$0x3FB4] =	sst s8  }
0x11: {  	[smem:$0x3FB5] =	sst s9;
	s0 =	simm.s32 @!p0 $0x0  }
0x12: {  	s1 =	sld [smem:$0x3F9B];
	s0 =	simm.s32 @p0 $0x1  }
0x13: {  	[smem:$0x3FB6] =	sst s0;
	s0 =	simm.s32 @!p1 $0x0  }
0x14: {  	s2 =	sld [smem:$0x3F9A];
	s0 =	simm.s32 @p1 $0x1  }
0x15: {  	[smem:$0x3FB7] =	sst s0;
	s0 =	simm.s32 @!p2 $0x0  }
0x16: {  	s3 =	sld [smem:$0x3FDB];
	s0 =	simm.s32 @p2 $0x1  }
0x17: {  	s4 =	simm.s32 $0x1BF5;
	[smem:$0x3FB9] =	sst s0  }
0x18: {  	s0 =	sld [smem:$0x3F9C];
	_ =	swait.ge [sflag:s4], $0x0  }
0x19: {  	s7 =	sld [smem:$0x3F9D]  }
0x1a: {  	s8 =	sadd.s32 $0xFFFFE003, lr  }
0x1b: {  	s9 =	sadd.s32 $0xFFFFFEF7, lr;
	s5 =	simm.s32 $0xFFFFFFFF;
	p2 =	slt.u32 s8, $0xFFFFF086  }
0x1c: {  	p1 =	slt.u32 s9, $0xF7A;
	s5 =	simm.s32 @!p2 $0x0  }
0x1d: {  	s5 =	simm.s32 @p1 $0x1;
	p0 =	seq.s32 s7, s2  }
0x1e: {  	s7 =	smul.u32 @!p0 $0xF7A, s2;
	p2 =	seq.s32 @!p0 s5, $0x0  }
0x1f: {  	s9 =	smul.u32 $0xF7A, s1;
	s8 =	simm.s32 @!p0 $0x1BF5;
	p2 =	por !p2, p0  }
0x20: {  	[sflag:s8] =	ssyncset.s32 @!p0 $0xFFFFF086;
	s6 =	sadd.s32 @!p0 s3, s7;
	s7 =	simm.s32 @!p0 $0x108  }
0x21: {  	s3 =	sadd.s32 s3, s9;
	s6 =	sadd.s32 @!p0 $0x88, s6;
	s7 =	simm.s32 @p2 $0x1082  }
0x22: {  	[simem:s7], [sflag:s8] =	dma.local @!p0 [hbm:s6], $0xF7A  }
0x23: {  	s9 =	sor.u32 $0xD0000000, s2;
	s6 =	simm.s32 $0x108;
	_ =	swait.ge @!p0 [sflag:s8], $0x0  }
0x24: {  	s3 =	sadd.s32 $0x88, s3;
	s6 =	simm.s32 @!p1 $0x1082;
	[sflag:s4] =	ssyncset.s32 $0xFFFFF086  }
0x25: {  	[simem:s6], [sflag:s4] =	dma.local [hbm:s3], $0xF7A  }
0x26: {  	[smem:$0x3F9D] =	sst s1;
	(tag) =	ssettag s2;
	_ =	strace s9  }
0x27: {  	s1 =	sld [smem:$0x3FAD]  }
0x28: {  	s2 =	sld [smem:$0x3FAE]  }
0x29: {  	s4 =	sld [smem:$0x3FB0]  }
0x2a: {  	p0 =	seq.s32 s5, $0x0;
	s5 =	sld [smem:$0x3FB1]  }
0x2b: {  	s6 =	sld [smem:$0x3FB2]  }
0x2c: {  	s7 =	sld [smem:$0x3FB3]  }
0x2d: {  	s3 =	simm.s32 $0x108;
	s8 =	sld [smem:$0x3FB4]  }
0x2e: {  	s3 =	simm.s32 @!p0 $0x1082;
	s9 =	sld [smem:$0x3FB5]  }
0x2f: {  	lr =	sadd.s32 s0, s3;
	s0 =	sld [smem:$0x3FAC]  }
0x30: {  	s3 =	sld [smem:$0x3FAF]  }
0x31: {  	[smem:$0x3FB8] =	sst s10  }
0x32: {  	s10 =	sld [smem:$0x3FB6];
	_ =	sdelay $0x3  }
0x33: {  	p0 =	seq.s32 s10, $0x1;
	s10 =	sld [smem:$0x3FB8];
	_ =	sdelay $0x3  }
0x34: {  	[smem:$0x3FB8] =	sst s10  }
0x35: {  	s10 =	sld [smem:$0x3FB7];
	_ =	sdelay $0x3  }
0x36: {  	p1 =	seq.s32 s10, $0x1;
	s10 =	sld [smem:$0x3FB8];
	_ =	sdelay $0x3  }
0x37: {  	[smem:$0x3FB8] =	sst s10  }
0x38: {  	s10 =	sld [smem:$0x3FB9]  }
0x39: {  	_ = 	snop;
	(pc) =	sbr.ind lr, $3  }
0x3a: {  	_ = 	snop  }
0x3b: {  	_ = 	snop  }
0x3c: {  	p2 =	seq.s32 s10, $0x1;
	s10 =	sld [smem:$0x3FB8]  }
0x3d: {  	_ =	shalt  }
0x3e: {  	_ =	shalt  }
0x3f: {  	_ =	shalt  }
0x40: {  	_ =	shalt  }
0x41: {  	_ =	shalt  }
0x42: {  	_ =	shalt  }
0x43: {  	_ =	shalt  }
0x44: {  	_ =	shalt  }
0x45: {  	_ =	shalt  }
0x46: {  	_ =	shalt  }
0x47: {  	_ =	shalt  }
0x48: {  	_ =	shalt  }
0x49: {  	_ =	shalt  }
0x4a: {  	_ =	shalt  }
0x4b: {  	_ =	shalt  }
0x4c: {  	_ =	shalt  }
0x4d: {  	_ =	shalt  }
0x4e: {  	_ =	shalt  }
0x4f: {  	_ =	shalt  }
0x50: {  	_ =	shalt  }
0x51: {  	_ =	shalt  }
0x52: {  	_ =	shalt  }
0x53: {  	_ =	shalt  }
0x54: {  	_ =	shalt  }
0x55: {  	_ =	shalt  }
0x56: {  	_ =	shalt  }
0x57: {  	_ =	shalt  }
0x58: {  	_ =	shalt  }
0x59: {  	_ =	shalt  }
0x5a: {  	_ =	shalt  }
0x5b: {  	_ =	shalt  }
0x5c: {  	_ =	shalt  }
0x5d: {  	_ =	shalt  }
0x5e: {  	_ =	shalt  }
0x5f: {  	_ =	shalt  }
0x60: {  	_ =	shalt  }
0x61: {  	_ =	shalt  }
0x62: {  	_ =	shalt  }
0x63: {  	_ =	shalt  }
0x64: {  	_ =	shalt  }
0x65: {  	_ =	shalt  }
0x66: {  	_ =	shalt  }
0x67: {  	_ =	shalt  }
0x68: {  	_ =	shalt  }
0x69: {  	_ =	shalt  }
0x6a: {  	_ =	shalt  }
0x6b: {  	_ =	shalt  }
0x6c: {  	_ =	shalt  }
0x6d: {  	_ =	shalt  }
0x6e: {  	_ =	shalt  }
0x6f: {  	_ =	shalt  }
0x70: {  	_ =	shalt  }
0x71: {  	_ =	shalt  }
0x72: {  	_ =	shalt  }
0x73: {  	_ =	shalt  }
0x74: {  	_ =	shalt  }
0x75: {  	_ =	shalt  }
0x76: {  	_ =	shalt  }
0x77: {  	_ =	shalt  }
0x78: {  	_ =	shalt  }
0x79: {  	_ =	shalt  }
0x7a: {  	_ =	shalt  }
0x7b: {  	_ =	shalt  }
0x7c: {  	_ =	shalt  }
0x7d: {  	_ =	shalt  }
0x7e: {  	_ =	shalt  }
0x7f: {  	_ =	shalt  }
0x80: {  	_ =	shalt  }
0x81: {  	_ =	shalt  }
0x82: {  	_ =	shalt  }
0x83: {  	_ =	shalt  }
0x84: {  	_ =	shalt  }
0x85: {  	_ =	shalt  }
0x86: {  	_ =	shalt  }
0x87: {  	_ =	shalt  }
.Lfunc_end0:
.L_simem_size_0:
called_computation_lowered:
.L_overlay_start_0:
0x88: {  	s2 =	sld [smem:$0x3FD9]  }
0x89: {  	s3 =	sld [smem:$0x3FFE];
	_ =	sdelay $0x1  }
0x8a: {  	s1 =	srdreg.scid  }
0x8b: {  	s0 =	sand.u32 $0x1, s1  }
0x8c: {  	s17 =	sshll.u32 s0, $0xA;
	s2 =	sadd.s32 s3, s2  }
0x8d: {  	s2 =	sadd.s32 s2, s17  }
0x8e: {  	[smem:$0x3FC4] =	sst s2  }
0x8f: {  	_ = 	snop  }
0x90: {  	s2 =	sld [smem:$0x3FD0];
	(tm) =	ssettm $0x1  }
0x91: {  	s18 =	sld [smem:$0x3FFB];
	_ =	sdelay $0x3  }
0x92: {  	_ =	strace s18  }
0x93: {  	s3 =	sld [smem:$0x3FFC];
	_ =	sdelay $0x3  }
0x94: {  	_ =	strace s3  }
0x95: {  	s3 =	sld [smem:$0x3FFD];
	_ =	sdelay $0x3  }
0x96: {  	_ =	strace s3  }
0x97: {  	_ =	strace $0x8FFFFFFF  }
0x98: {  	s19 =	sld [smem:$0x3FDB];
	_ =	sdelay $0x1  }
0x99: {  	s4 =	simm.s32 $_scs_section_size  }
0x9a: {  	s5 =	simm.s32 $_size__tile_overlayer_lowered;
	s6 =	simm.s32 $_tile_overlayer_lowered  }
0x9b: {  	s22 =	simm.s32 $0x1BFF;
	s21 =	sshll.u32 s6, $0x1;
	s3 =	sadd.s32 s4, s19  }
0x9c: {  	s7 =	simm.s32 $0x0;
	s20 =	sshll.u32 s5, $0x1;
	s5 =	sadd.s32 s21, s3  }
0x9d: {  	[timem:s7], [sflag:s22] =	dma.local [hbm:s5], s20  }
0x9e: {  	_ =	swait.ge [sflag:s22], s20  }
0x9f: {  	s4 =	ssub.s32 $0x0, s20;
	[sflag:s22] =	ssyncset.done $0x0  }
0xa0: {  	[sflag:s22] =	ssyncadd.s32 s4;
	_ =	sdelay $0x1  }
0xa1: {  	s23 =	simm.s32 $0x1B8B  }
0xa2: {  	_ =	swait.ge [sflag:s23], $0x1  }
0xa3: {  	[sflag:s23] =	ssyncset.done $0x0  }
0xa4: {  	s25 =	simm.s32 $0x1B8E;
	s24 =	sld [smem:$0x3FFE];
	[sflag:s23] =	ssyncadd.s32 $0xFFFFFFFF  }
0xa5: {  	s26 =	simm.s32 $execute0_lowered;
	[smem:$0x3FD2] =	sst s25  }
0xa6: {  	s5 =	sshll.u32 s26, $0x1;
	_ =	strace $0x80000046;
	[dreg:$0x1] =	wrdreg $0xFFFFFFFF  }
0xa7: {  	s28 =	simm.s32 $_size_execute0_lowered;
	s3 =	sadd.s32 s3, s5;
	[dreg:$0x0] =	wrdreg $0x0  }
0xa8: {  	s5 =	sshll.u32 s28, $0x1;
	[dreg:$0x2] =	wrdreg s3  }
0xa9: {  	[dreg:$0x3] =	wrdreg s5  }
0xaa: {  	[dreg:$0x4] =	wrdreg $0xC0  }
0xab: {  	_ =	task [dreg:s7], $0x5FFFF  }
0xac: {  	[dreg:$0x1] =	wrdreg $0xFFFFFFFF  }
0xad: {  	[dreg:$0x0] =	wrdreg $0x60  }
0xae: {  	[dreg:$0x2] =	wrdreg s24  }
0xaf: {  	[dreg:$0x3] =	wrdreg s2  }
0xb0: {  	[dreg:$0x4] =	wrdreg $0x9  }
0xb1: {  	_ =	task.clear_ibuf [dreg:s7], $0x5FFFF;
	_ =	strace $0x90000046  }
0xb2: {  	s29 =	simm.s32 $0x9;
	_ =	strace $0x80000048  }
0xb3: {  	_ =	swait.ge [sflag:s29], $0x1  }
0xb4: {  	[sflag:s29] =	ssyncadd.s32 $0xFFFFFFFF  }
0xb5: {  	_ =	strace $0x90000048  }
0xb6: {  	_ =	sfence  }
0xb7: {  	s30 =	sld [smem:$0x0];
	_ =	sdelay $0x2  }
0xb8: {  	s31 =	sshll.u32 s1, $0xD;
	s1 =	sshrl.u32 s1, $0x2  }
0xb9: {  	s3 =	sand.u32 $0x4000, s31;
	s1 =	sadd.s32 s1, s30  }
0xba: {  	s0 =	sor.u32 s3, s0;
	s1 =	sshll.u32 s1, $0x11  }
0xbb: {  	s0 =	sor.u32 s1, s0  }
0xbc: {  	s0 =	sadd.s32 $0x8F2B, s0  }
0xbd: {  	[sflag:s0] =	ssyncadd.remote.s32 $0x1  }
0xbe: {  	_ =	sfence.sel $0xFFFF  }
0xbf: {  	[dreg:$0x0] =	wrdreg $0xFFFFFFFF;
	(pc) =	sbr.abs _section_cstart, $3  }
0xc0: {  	[dreg:$0x1] =	wrdreg $0xFFFFFFFF  }
0xc1: {  	_ =	task.clear_ibuf [dreg:s7], $0x2FFFF;
	_ =	strace $0x9FFFFFFF  }
0xc2: {  	(tm) =	ssettm $0x7FFFFFFF  }
0xc3: {  	_ =	shalt  }
tec
execute0_lowered:
.L_overlay_start_1:
0x0: {  	(tag) =	ssettag $0x1  }
0x1: {  	s0 =	srdreg.scid  }
0x2: {  	s8 =	stileid.u32;
	s1 =	rddreg [dreg:$0x0];
	v0 =	vimm.f32 $1.500000000e+01;
	vm0 =	vcmask $0x300  }
0x3: {  	s9 =	rddreg [dreg:$0x1];
	vm14 =	vcmask $0x704;
	s18 =	simm.s32 $0x1;
	s20 =	simm.s32 $0xA80;
	v0 =	vsel vm0, $0x0, v0  }
0x4: {  	vm15 =	vcmask $0xB08;
	s21 =	simm.s32 $0x0;
	s0 =	sand.u32 $0x1, s0;
	s2 =	sshll.u32 s8, $0x1;
	v0 =	vsel vm14, $0x3F800000, v0  }
0x5: {  	vm4 =	vcmask $0xF0C;
	s30 =	sshll.u32 s8, $0x6;
	s19 =	sor.u32 s0, s2;
	s2 =	simm.s32 $0x0;
	v0 =	vsel vm15, $0x40000000, v0  }
0x6: {  	vm5 =	vcmask $0x1310;
	s0 =	ssub.s32 $0x2, s0;
	s3 =	sor.u32 $0xFFFFFFC0, s19;
	s28 =	sor.u32 $0xFFFFFFE0, s19;
	v0 =	vsel vm4, $0x40400000, v0  }
0x7: {  	vm6 =	vcmask $0x1714;
	[smem:$0x7FF] =	sst s2;
	s6 =	smul.u32 s19, s19;
	s7 =	sor.u32 $0x20, s19;
	v0 =	vsel vm5, $0x40800000, v0  }
0x8: {  	vm7 =	vcmask $0x1B18;
	s31 =	sshll.u32 s19, $0x4;
	s10 =	sshrl.u32 s0, $0x1;
	s4 =	smul.u32 s3, s3;
	v0 =	vsel vm6, $0x40A00000, v0  }
0x9: {  	vm8 =	vcmask $0x1F1C;
	p0 =	sne.s32 s19, $0x0;
	s19 =	simm.s32 $0x680;
	s5 =	smul.u32 s28, s28;
	v0 =	vsel vm7, $0x40C00000, v0  }
0xa: {  	vm9 =	vcmask $0x2320;
	_ =	strace $0x80000047;
	s3 =	sadd.s32 $0x1400, s1;
	s29 =	smul.u32 s7, s7;
	v0 =	vsel vm8, $0x40E00000, v0  }
0xb: {  	vm10 =	vcmask $0x2724;
	s1 =	sand.u32 $0x300, s30;
	s8 =	sand.u32 $0x70, s31;
	s0 =	ssub.s32 s0, s10;
	v0 =	vsel vm9, $0x41000000, v0  }
0xc: {  	vm11 =	vcmask $0x2B28;
	s6 =	scvt.s32.f32 s6;
	s1 =	sor.u32 s1, s8;
	s17 =	smax.u32 s0, $0x1;
	v0 =	vsel vm10, $0x41100000, v0  }
.Ltmp0:
0xd: {  	vm12 =	vcmask $0x2F2C;
	s4 =	scvt.s32.f32 s4;
	s9 =	sadd.s32 s9, s1;
	v0 =	vsel vm11, $0x41200000, v0;
	(pc) =	sbr.rel .LBB2_1-.Ltmp0, $4  }
0xe: {  	vm13 =	vcmask $0x3330;
	s5 =	scvt.s32.f32 s5;
	s7 =	scvt.s32.f32 s29;
	s10 =	sadd.s32 $0x400, s9;
	v0 =	vsel vm12, $0x41300000, v0  }
0xf: {  	vm14 =	vcmask $0x3734;
	s13 =	sadd.s32 $0x1000, s9;
	s14 =	sadd.s32 $0x1400, s9;
	s15 =	sadd.s32 $0x1800, s9;
	v0 =	vsel vm13, $0x41400000, v0  }
0x10: {  	vm15 =	vcmask $0x3B38;
	s16 =	sadd.s32 $0x1C00, s9;
	s11 =	smin.f32 s4, s5;
	s12 =	smin.f32 s6, s7;
	v1 =	vsel vm14, $0x41500000, v0  }
0x11: {  	s8 =	smin.f32 s11, s12;
	s11 =	sadd.s32 $0x800, s9;
	s12 =	sadd.s32 $0xC00, s9;
	v0 =	vimm.f32 $1.000000000e+00;
	v1 =	vsel vm15, $0x41600000, v1  }
.LBB2_28:
.Ltmp1:
0x12: {  	(pc) =	sbr.rel @!p0 .LBB2_29-.Ltmp1, $1  }
0x13: {  	_ =	sdelay $0x3  }
.LBB2_37:
0x14: {  	s0 =	simm.s32 $0x300  }
0x15: {  	[hbm4b:s9+s2] =	stream.linear.scatter [tilespmem:s0], [sflag:$0x1], $0x80, $0x38;
	[tilespmem:$0xB00] =	vst v63  }
0x16: {  	s31 =	sadd.s32 $0x80, s9;
	s1 =	simm.s32 $0x700  }
0x17: {  	[hbm4b:s31+s2] =	stream.linear.scatter [tilespmem:s1], [sflag:$0x1], $0x80, $0x38;
	[tilespmem:$0xB00] =	vst v63  }
0x18: {  	_ =	swait.ge [sflag:s18], $0x100  }
0x19: {  	[sflag:s18] =	ssyncset.done $0x0  }
0x1a: {  	s22 =	simm.s32 $0x380;
	[sflag:s18] =	ssyncadd.s32 $0xFFFFFF00  }
0x1b: {  	[hbm4b:s10+s2] =	stream.linear.scatter [tilespmem:s22], [sflag:$0x1], $0x80, $0x38;
	[tilespmem:$0xB00] =	vst v63  }
0x1c: {  	s23 =	sadd.s32 $0x80, s10;
	s24 =	simm.s32 $0x780  }
0x1d: {  	[hbm4b:s23+s2] =	stream.linear.scatter [tilespmem:s24], [sflag:$0x1], $0x80, $0x38;
	[tilespmem:$0xB00] =	vst v63  }
0x1e: {  	_ =	swait.ge [sflag:s18], $0x100  }
0x1f: {  	[sflag:s18] =	ssyncset.done $0x0  }
0x20: {  	s25 =	simm.s32 $0x400;
	[sflag:s18] =	ssyncadd.s32 $0xFFFFFF00  }
0x21: {  	[hbm4b:s11+s2] =	stream.linear.scatter [tilespmem:s25], [sflag:$0x1], $0x80, $0x38;
	[tilespmem:$0xB00] =	vst v63  }
0x22: {  	s26 =	sadd.s32 $0x80, s11;
	s28 =	simm.s32 $0x800  }
0x23: {  	[hbm4b:s26+s2] =	stream.linear.scatter [tilespmem:s28], [sflag:$0x1], $0x80, $0x38;
	[tilespmem:$0xB00] =	vst v63  }
0x24: {  	_ =	swait.ge [sflag:s18], $0x100  }
0x25: {  	[sflag:s18] =	ssyncset.done $0x0  }
0x26: {  	s29 =	simm.s32 $0x480;
	[sflag:s18] =	ssyncadd.s32 $0xFFFFFF00  }
0x27: {  	[hbm4b:s12+s2] =	stream.linear.scatter [tilespmem:s29], [sflag:$0x1], $0x80, $0x38;
	[tilespmem:$0xB00] =	vst v63  }
0x28: {  	s30 =	sadd.s32 $0x80, s12;
	s31 =	simm.s32 $0x880  }
0x29: {  	[hbm4b:s30+s2] =	stream.linear.scatter [tilespmem:s31], [sflag:$0x1], $0x80, $0x38;
	[tilespmem:$0xB00] =	vst v63  }
0x2a: {  	_ =	swait.ge [sflag:s18], $0x100  }
0x2b: {  	[sflag:s18] =	ssyncset.done $0x0  }
0x2c: {  	s1 =	simm.s32 $0x500;
	[sflag:s18] =	ssyncadd.s32 $0xFFFFFF00  }
0x2d: {  	[hbm4b:s13+s2] =	stream.linear.scatter [tilespmem:s1], [sflag:$0x1], $0x80, $0x38;
	[tilespmem:$0xB00] =	vst v63  }
0x2e: {  	s22 =	sadd.s32 $0x80, s13;
	s23 =	simm.s32 $0x900  }
0x2f: {  	[hbm4b:s22+s2] =	stream.linear.scatter [tilespmem:s23], [sflag:$0x1], $0x80, $0x38;
	[tilespmem:$0xB00] =	vst v63  }
0x30: {  	_ =	swait.ge [sflag:s18], $0x100  }
0x31: {  	[sflag:s18] =	ssyncset.done $0x0  }
0x32: {  	s24 =	simm.s32 $0x580;
	[sflag:s18] =	ssyncadd.s32 $0xFFFFFF00  }
0x33: {  	[hbm4b:s14+s2] =	stream.linear.scatter [tilespmem:s24], [sflag:$0x1], $0x80, $0x38;
	[tilespmem:$0xB00] =	vst v63  }
0x34: {  	s25 =	sadd.s32 $0x80, s14;
	s26 =	simm.s32 $0x980  }
0x35: {  	[hbm4b:s25+s2] =	stream.linear.scatter [tilespmem:s26], [sflag:$0x1], $0x80, $0x38;
	[tilespmem:$0xB00] =	vst v63  }
0x36: {  	_ =	swait.ge [sflag:s18], $0x100  }
0x37: {  	[sflag:s18] =	ssyncset.done $0x0  }
0x38: {  	s28 =	simm.s32 $0x600;
	[sflag:s18] =	ssyncadd.s32 $0xFFFFFF00  }
0x39: {  	[hbm4b:s15+s2] =	stream.linear.scatter [tilespmem:s28], [sflag:$0x1], $0x80, $0x38;
	[tilespmem:$0xB00] =	vst v63  }
0x3a: {  	s29 =	sadd.s32 $0x80, s15;
	s30 =	simm.s32 $0xA00  }
0x3b: {  	[hbm4b:s29+s2] =	stream.linear.scatter [tilespmem:s30], [sflag:$0x1], $0x80, $0x38;
	[tilespmem:$0xB00] =	vst v63  }
0x3c: {  	_ =	swait.ge [sflag:s18], $0x100  }
0x3d: {  	s21 =	sadd.s32 $0x1, s21;
	[sflag:s18] =	ssyncset.done $0x0  }
0x3e: {  	p1 =	sne.s32 s21, s17;
	[sflag:s18] =	ssyncadd.s32 $0xFFFFFF00  }
0x3f: {  	[hbm4b:s16+s2] =	stream.linear.scatter [tilespmem:s19], [sflag:$0x1], $0x80, $0x38;
	[tilespmem:$0xB00] =	vst v63  }
.Ltmp2:
0x40: {  	s31 =	sadd.s32 $0x80, s16;
	(pc) =	sbr.rel @!p1 .LBB2_38-.Ltmp2, $4  }
0x41: {  	[hbm4b:s31+s2] =	stream.linear.scatter [tilespmem:s20], [sflag:$0x1], $0x80, $0x38;
	[tilespmem:$0xB00] =	vst v63  }
0x42: {  	_ =	swait.ge [sflag:s18], $0x100  }
0x43: {  	[sflag:s18] =	ssyncset.done $0x0  }
0x44: {  	[sflag:s18] =	ssyncadd.s32 $0xFFFFFF00  }
.LBB2_1:
0x45: {  	[tilespmem:s2], [sflag:$0x1] =	stream.linear.gather [hbm4b:s3+s2], $0x300, $0x38;
	[tilespmem:$0xB00] =	vst v63  }
0x46: {  	_ =	swait.ge [sflag:s18], $0x300  }
0x47: {  	[sflag:s18] =	ssyncset.done $0x0  }
0x48: {  	[sflag:s18] =	ssyncadd.s32 $0xFFFFFD00  }
0x49: {  	[tilespmem:$0x300] =	vst v0  }
0x4a: {  	[tilespmem:$0x310] =	vst v0  }
0x4b: {  	[tilespmem:$0x320] =	vst v0  }
0x4c: {  	[tilespmem:$0x330] =	vst v0  }
0x4d: {  	[tilespmem:$0x340] =	vst v0  }
0x4e: {  	[tilespmem:$0x350] =	vst v0  }
0x4f: {  	[tilespmem:$0x360] =	vst v0  }
0x50: {  	[tilespmem:$0x370] =	vst v0  }
0x51: {  	[tilespmem:$0x700] =	vst v0  }
0x52: {  	[tilespmem:$0x710] =	vst v0  }
0x53: {  	[tilespmem:$0x720] =	vst v0  }
0x54: {  	[tilespmem:$0x730] =	vst v0  }
0x55: {  	[tilespmem:$0x740] =	vst v0  }
0x56: {  	[tilespmem:$0x750] =	vst v0  }
0x57: {  	[tilespmem:$0x760] =	vst v0  }
0x58: {  	[tilespmem:$0x770] =	vst v0  }
0x59: {  	[tilespmem:$0x380] =	vst v0  }
0x5a: {  	[tilespmem:$0x390] =	vst v0  }
0x5b: {  	[tilespmem:$0x3A0] =	vst v0  }
0x5c: {  	[tilespmem:$0x3B0] =	vst v0  }
0x5d: {  	[tilespmem:$0x3C0] =	vst v0  }
0x5e: {  	[tilespmem:$0x3D0] =	vst v0  }
0x5f: {  	[tilespmem:$0x3E0] =	vst v0  }
0x60: {  	[tilespmem:$0x3F0] =	vst v0  }
0x61: {  	[tilespmem:$0x780] =	vst v0  }
0x62: {  	[tilespmem:$0x790] =	vst v0  }
0x63: {  	[tilespmem:$0x7A0] =	vst v0  }
0x64: {  	[tilespmem:$0x7B0] =	vst v0  }
0x65: {  	[tilespmem:$0x7C0] =	vst v0  }
0x66: {  	[tilespmem:$0x7D0] =	vst v0  }
0x67: {  	[tilespmem:$0x7E0] =	vst v0  }
0x68: {  	[tilespmem:$0x7F0] =	vst v0  }
0x69: {  	[tilespmem:$0x400] =	vst v0  }
0x6a: {  	[tilespmem:$0x410] =	vst v0  }
0x6b: {  	[tilespmem:$0x420] =	vst v0  }
0x6c: {  	[tilespmem:$0x430] =	vst v0  }
0x6d: {  	[tilespmem:$0x440] =	vst v0  }
0x6e: {  	[tilespmem:$0x450] =	vst v0  }
0x6f: {  	[tilespmem:$0x460] =	vst v0  }
0x70: {  	[tilespmem:$0x470] =	vst v0  }
0x71: {  	[tilespmem:$0x800] =	vst v0  }
0x72: {  	[tilespmem:$0x810] =	vst v0  }
0x73: {  	[tilespmem:$0x820] =	vst v0  }
0x74: {  	[tilespmem:$0x830] =	vst v0  }
0x75: {  	[tilespmem:$0x840] =	vst v0  }
0x76: {  	[tilespmem:$0x850] =	vst v0  }
0x77: {  	[tilespmem:$0x860] =	vst v0  }
0x78: {  	[tilespmem:$0x870] =	vst v0  }
0x79: {  	[tilespmem:$0x480] =	vst v0  }
0x7a: {  	[tilespmem:$0x490] =	vst v0  }
0x7b: {  	[tilespmem:$0x4A0] =	vst v0  }
0x7c: {  	[tilespmem:$0x4B0] =	vst v0  }
0x7d: {  	[tilespmem:$0x4C0] =	vst v0  }
0x7e: {  	[tilespmem:$0x4D0] =	vst v0  }
0x7f: {  	[tilespmem:$0x4E0] =	vst v0  }
0x80: {  	[tilespmem:$0x4F0] =	vst v0  }
0x81: {  	[tilespmem:$0x880] =	vst v0  }
0x82: {  	[tilespmem:$0x890] =	vst v0  }
0x83: {  	[tilespmem:$0x8A0] =	vst v0  }
0x84: {  	[tilespmem:$0x8B0] =	vst v0  }
0x85: {  	[tilespmem:$0x8C0] =	vst v0  }
0x86: {  	[tilespmem:$0x8D0] =	vst v0  }
0x87: {  	[tilespmem:$0x8E0] =	vst v0  }
0x88: {  	[tilespmem:$0x8F0] =	vst v0  }
0x89: {  	[tilespmem:$0x500] =	vst v0  }
0x8a: {  	[tilespmem:$0x510] =	vst v0  }
0x8b: {  	[tilespmem:$0x520] =	vst v0  }
0x8c: {  	[tilespmem:$0x530] =	vst v0  }
0x8d: {  	[tilespmem:$0x540] =	vst v0  }
0x8e: {  	[tilespmem:$0x550] =	vst v0  }
0x8f: {  	[tilespmem:$0x560] =	vst v0  }
0x90: {  	[tilespmem:$0x570] =	vst v0  }
0x91: {  	[tilespmem:$0x900] =	vst v0  }
0x92: {  	[tilespmem:$0x910] =	vst v0  }
0x93: {  	[tilespmem:$0x920] =	vst v0  }
0x94: {  	[tilespmem:$0x930] =	vst v0  }
0x95: {  	[tilespmem:$0x940] =	vst v0  }
0x96: {  	[tilespmem:$0x950] =	vst v0  }
0x97: {  	[tilespmem:$0x960] =	vst v0  }
0x98: {  	[tilespmem:$0x970] =	vst v0  }
0x99: {  	[tilespmem:$0x580] =	vst v0  }
0x9a: {  	[tilespmem:$0x590] =	vst v0  }
0x9b: {  	[tilespmem:$0x5A0] =	vst v0  }
0x9c: {  	[tilespmem:$0x5B0] =	vst v0  }
0x9d: {  	[tilespmem:$0x5C0] =	vst v0  }
0x9e: {  	[tilespmem:$0x5D0] =	vst v0  }
0x9f: {  	[tilespmem:$0x5E0] =	vst v0  }
0xa0: {  	[tilespmem:$0x5F0] =	vst v0  }
0xa1: {  	[tilespmem:$0x980] =	vst v0  }
0xa2: {  	[tilespmem:$0x990] =	vst v0  }
0xa3: {  	[tilespmem:$0x9A0] =	vst v0  }
0xa4: {  	[tilespmem:$0x9B0] =	vst v0  }
0xa5: {  	[tilespmem:$0x9C0] =	vst v0  }
0xa6: {  	[tilespmem:$0x9D0] =	vst v0  }
0xa7: {  	[tilespmem:$0x9E0] =	vst v0  }
0xa8: {  	[tilespmem:$0x9F0] =	vst v0  }
0xa9: {  	[tilespmem:$0x600] =	vst v0  }
0xaa: {  	[tilespmem:$0x610] =	vst v0  }
0xab: {  	[tilespmem:$0x620] =	vst v0  }
0xac: {  	[tilespmem:$0x630] =	vst v0  }
0xad: {  	[tilespmem:$0x640] =	vst v0  }
0xae: {  	[tilespmem:$0x650] =	vst v0  }
0xaf: {  	[tilespmem:$0x660] =	vst v0  }
0xb0: {  	[tilespmem:$0x670] =	vst v0  }
0xb1: {  	[tilespmem:$0xA00] =	vst v0  }
0xb2: {  	[tilespmem:$0xA10] =	vst v0  }
0xb3: {  	[tilespmem:$0xA20] =	vst v0  }
0xb4: {  	[tilespmem:$0xA30] =	vst v0  }
0xb5: {  	[tilespmem:$0xA40] =	vst v0  }
0xb6: {  	[tilespmem:$0xA50] =	vst v0  }
0xb7: {  	[tilespmem:$0xA60] =	vst v0  }
0xb8: {  	[tilespmem:$0xA70] =	vst v0  }
0xb9: {  	[tilespmem:$0x680] =	vst v0  }
0xba: {  	[tilespmem:$0x690] =	vst v0  }
0xbb: {  	[tilespmem:$0x6A0] =	vst v0  }
0xbc: {  	[tilespmem:$0x6B0] =	vst v0  }
0xbd: {  	[tilespmem:$0x6C0] =	vst v0  }
0xbe: {  	[tilespmem:$0x6D0] =	vst v0  }
0xbf: {  	[tilespmem:$0x6E0] =	vst v0  }
0xc0: {  	[tilespmem:$0x6F0] =	vst v0  }
0xc1: {  	[tilespmem:$0xA80] =	vst v0  }
0xc2: {  	[tilespmem:$0xA90] =	vst v0  }
0xc3: {  	[tilespmem:$0xAA0] =	vst v0  }
.Ltmp3:
0xc4: {  	[tilespmem:$0xAB0] =	vst v0;
	(pc) =	sbr.rel .LBB2_2-.Ltmp3, $4  }
0xc5: {  	[tilespmem:$0xAC0] =	vst v0  }
0xc6: {  	[tilespmem:$0xAD0] =	vst v0  }
0xc7: {  	[tilespmem:$0xAE0] =	vst v0  }
0xc8: {  	s22 =	simm.s32 $0x0;
	[tilespmem:$0xAF0] =	vst v0  }
.LBB2_29:
.Ltmp4:
0xc9: {  	(pc) =	sbr.rel .LBB2_30-.Ltmp4, $2  }
0xca: {  	_ =	sdelay $0x2  }
0xcb: {  	s22 =	simm.s32 $0x0  }
.LBB2_23:
0xcc: {  	_ = 	snop  }
.LBB2_26:
0xcd: {  	s0 =	sand.u32 $0x70, s24;
	s1 =	sand.u32 $0xFFFFFC00, s23;
	v5 =	vsel @p1 vm0, v6, v5  }
0xce: {  	v63 =	vadd.f32 s26, v1;
	s0 =	sor.u32 s0, s1;
	[tilespmem:s25+$0x580] =	vst @p1 v5  }
0xcf: {  	v5 =	vld [tilespmem:s0+$0x580]  }
0xd0: {  	v4 =	vsub.f32 v63, v4;
	_ =	sdelay $0x1  }
0xd1: {  	v4 =	vmul.f32 v4, v4;
	_ =	sdelay $0x1  }
0xd2: {  	vm15 =	vle.f32 v4, v3;
	v2 =	vmin.f32 v5, v2  }
0xd3: {  	v2 =	vsel vm15, v2, v5  }
0xd4: {  	[tilespmem:s0+$0x580] =	vst v2  }
.LBB2_27:
0xd5: {  	s22 =	sadd.s32 $0x1, s22  }
0xd6: {  	p1 =	sne.s32 s22, $0x9F  }
.Ltmp5:
0xd7: {  	_ = 	snop;
	(pc) =	sbr.rel @!p1 .LBB2_28-.Ltmp5, $1  }
0xd8: {  	_ =	sdelay $0x3  }
.LBB2_2:
0xd9: {  	s23 =	sshll.u32 s22, $0x2  }
0xda: {  	s23 =	sand.u32 $0x3FFFFFFC, s23  }
0xdb: {  	v2 =	vld [tilespmem:s23+$0x0];
	_ =	sdelay $0x4  }
0xdc: {  	(v2sf) =	vpush v2, $0x2;
	_ =	sdelay $0xe  }
0xdd: {  	s23 =	spop (v2sf)  }
0xde: {  	p1 =	sge.f32 s23, s8  }
.Ltmp6:
0xdf: {  	_ = 	snop;
	(pc) =	sbr.rel @!p1 .LBB2_27-.Ltmp6, $1  }
0xe0: {  	_ =	sdelay $0x3  }
0xe1: {  	(v2sf) =	vpush v2, $0x0  }
0xe2: {  	(v2sf) =	vpush v2, $0x1;
	_ =	sdelay $0xd  }
0xe3: {  	s24 =	spop (v2sf)  }
0xe4: {  	s25 =	spop (v2sf)  }
0xe5: {  	s26 =	ssub.f32 s24, s25  }
0xe6: {  	s24 =	sadd.f32 s25, s24  }
0xe7: {  	s29 =	ssub.f32 s23, s4  }
0xe8: {  	s30 =	smax.f32 s26, $0.0e+00;
	s24 =	smin.f32 s24, $2.550000000e+02  }
0xe9: {  	s25 =	scvt.f32.s32 s30;
	s31 =	scvt.f32.s32 s24  }
0xea: {  	p1 =	sge.f32 s29, $0.0e+00  }
0xeb: {  	s24 =	sshra.s32 s25, $0x4;
	s25 =	sshra.s32 s31, $0x4  }
0xec: {  	p2 =	sgt.s32 @p1 s24, s25  }
0xed: {  	p1 =	por !p1, p2  }
.Ltmp7:
0xee: {  	_ = 	snop;
	(pc) =	sbr.rel @p1 .LBB2_9-.Ltmp7, $1  }
0xef: {  	_ =	sdelay $0x3  }
0xf0: {  	s26 =	ssub.s32 s25, s24  }
0xf1: {  	s31 =	sadd.s32 $0x1, s26  }
0xf2: {  	p2 =	sne.s32 s31, $0x1  }
.Ltmp8:
0xf3: {  	_ = 	snop;
	(pc) =	sbr.rel @!p2 .LBB2_5-.Ltmp8, $3  }
0xf4: {  	_ =	sdelay $0x1  }
0xf5: {  	s28 =	sshll.u32 s24, $0x4;
	p1 =	por $0x0, $0x0  }
0xf6: {  	v5 =	vbroadcast v2, $0x0;
	v3 =	vmov s29;
	v4 =	vbroadcast v2, $0x3;
	s26 =	sshll.u32 s24, $0x7;
	s30 =	scvt.s32.f32 s28;
	s31 =	sadd.s32 $0xFFFFFFFF, s31  }
0xf7: {  	s29 =	sand.u32 $0x70, s28;
	s1 =	sand.u32 $0xFFFFFC00, s26  }
0xf8: {  	v7 =	vadd.f32 s30, v1;
	s29 =	sor.u32 s29, s1  }
0xf9: {  	p2 =	sne.s32 s31, $0x1;
	v6 =	vld [tilespmem:s29+$0x400]  }
.Ltmp9:
0xfa: {  	v7 =	vsub.f32 v7, v5;
	(pc) =	sbr.rel @!p2 .LBB2_8-.Ltmp9, $4  }
0xfb: {  	_ = 	snop  }
0xfc: {  	v7 =	vmul.f32 v7, v7  }
0xfd: {  	s28 =	sadd.s32 $0x10, s28;
	s31 =	sadd.s32 $0xFFFFFFFF, s31  }
0xfe: {  	s26 =	sadd.s32 $0x80, s26;
	p1 =	por $0x1, $0x1;
	s30 =	scvt.s32.f32 s28;
	vm0 =	vle.f32 v7, v3;
	v7 =	vmin.f32 v6, v4  }
.LBB2_7:
0xff: {  	p2 =	sne.s32 s31, $0x1;
	s1 =	sand.u32 $0x70, s28;
	s0 =	sand.u32 $0xFFFFFC00, s26;
	v6 =	vsel vm0, v7, v6  }
0x100: {  	v7 =	vadd.f32 s30, v1;
	[tilespmem:s29+$0x400] =	vst v6;
	s29 =	sor.u32 s1, s0  }
0x101: {  	v6 =	vld [tilespmem:s29+$0x400]  }
.Ltmp10:
0x102: {  	v7 =	vsub.f32 v7, v5;
	(pc) =	sbr.rel @p2 .LBB2_7-.Ltmp10, $4  }
0x103: {  	_ = 	snop  }
0x104: {  	v7 =	vmul.f32 v7, v7  }
0x105: {  	s28 =	sadd.s32 $0x10, s28  }
0x106: {  	s31 =	sadd.s32 $0xFFFFFFFF, s31;
	s26 =	sadd.s32 $0x80, s26;
	s30 =	scvt.s32.f32 s28;
	vm0 =	vle.f32 v7, v3;
	v7 =	vmin.f32 v6, v4  }
.LBB2_8:
0x107: {  	s0 =	sand.u32 $0x70, s28;
	s1 =	sand.u32 $0xFFFFFC00, s26;
	v6 =	vsel @p1 vm0, v7, v6  }
0x108: {  	v63 =	vadd.f32 s30, v1;
	s0 =	sor.u32 s0, s1;
	[tilespmem:s29+$0x400] =	vst @p1 v6  }
0x109: {  	v6 =	vld [tilespmem:s0+$0x400]  }
0x10a: {  	v5 =	vsub.f32 v63, v5;
	_ =	sdelay $0x1  }
0x10b: {  	v5 =	vmul.f32 v5, v5;
	_ =	sdelay $0x1  }
0x10c: {  	vm15 =	vle.f32 v5, v3;
	v3 =	vmin.f32 v6, v4  }
0x10d: {  	v3 =	vsel vm15, v3, v6  }
0x10e: {  	[tilespmem:s0+$0x400] =	vst v3  }
.LBB2_9:
0x10f: {  	s29 =	ssub.f32 s23, s5;
	_ =	sdelay $0x1  }
0x110: {  	p1 =	sge.f32 s29, $0.0e+00;
	_ =	sdelay $0x1  }
0x111: {  	p2 =	sgt.s32 @p1 s24, s25  }
0x112: {  	p1 =	por !p1, p2  }
.Ltmp11:
0x113: {  	_ = 	snop;
	(pc) =	sbr.rel @p1 .LBB2_15-.Ltmp11, $1  }
0x114: {  	_ =	sdelay $0x3  }
0x115: {  	s0 =	ssub.s32 s25, s24  }
0x116: {  	s0 =	sadd.s32 $0x1, s0  }
0x117: {  	p2 =	sne.s32 s0, $0x1  }
.Ltmp12:
0x118: {  	_ = 	snop;
	(pc) =	sbr.rel @!p2 .LBB2_11-.Ltmp12, $3  }
0x119: {  	_ =	sdelay $0x1  }
0x11a: {  	s26 =	sshll.u32 s24, $0x7;
	s28 =	sshll.u32 s24, $0x4  }
0x11b: {  	v5 =	vbroadcast v2, $0x0;
	v3 =	vmov s29;
	v4 =	vbroadcast v2, $0x3;
	p1 =	por $0x0, $0x0;
	s30 =	scvt.s32.f32 s28;
	s31 =	sadd.s32 $0xFFFFFFFF, s0  }
0x11c: {  	s0 =	sand.u32 $0x70, s28;
	s1 =	sand.u32 $0xFFFFFC00, s26  }
0x11d: {  	v7 =	vadd.f32 s30, v1;
	s29 =	sor.u32 s0, s1  }
0x11e: {  	p2 =	sne.s32 s31, $0x1;
	v6 =	vld [tilespmem:s29+$0x480]  }
.Ltmp13:
0x11f: {  	v7 =	vsub.f32 v7, v5;
	(pc) =	sbr.rel @!p2 .LBB2_14-.Ltmp13, $4  }
0x120: {  	_ = 	snop  }
0x121: {  	v7 =	vmul.f32 v7, v7  }
0x122: {  	s28 =	sadd.s32 $0x10, s28;
	s31 =	sadd.s32 $0xFFFFFFFF, s31  }
0x123: {  	s26 =	sadd.s32 $0x80, s26;
	p1 =	por $0x1, $0x1;
	s30 =	scvt.s32.f32 s28;
	vm0 =	vle.f32 v7, v3;
	v7 =	vmin.f32 v6, v4  }
.LBB2_13:
0x124: {  	p2 =	sne.s32 s31, $0x1;
	s0 =	sand.u32 $0x70, s28;
	s1 =	sand.u32 $0xFFFFFC00, s26;
	v6 =	vsel vm0, v7, v6  }
0x125: {  	v7 =	vadd.f32 s30, v1;
	[tilespmem:s29+$0x480] =	vst v6;
	s29 =	sor.u32 s0, s1  }
0x126: {  	v6 =	vld [tilespmem:s29+$0x480]  }
.Ltmp14:
0x127: {  	v7 =	vsub.f32 v7, v5;
	(pc) =	sbr.rel @p2 .LBB2_13-.Ltmp14, $4  }
0x128: {  	_ = 	snop  }
0x129: {  	v7 =	vmul.f32 v7, v7  }
0x12a: {  	s28 =	sadd.s32 $0x10, s28  }
0x12b: {  	s31 =	sadd.s32 $0xFFFFFFFF, s31;
	s26 =	sadd.s32 $0x80, s26;
	s30 =	scvt.s32.f32 s28;
	vm0 =	vle.f32 v7, v3;
	v7 =	vmin.f32 v6, v4  }
.LBB2_14:
0x12c: {  	s0 =	sand.u32 $0x70, s28;
	s1 =	sand.u32 $0xFFFFFC00, s26;
	v6 =	vsel @p1 vm0, v7, v6  }
0x12d: {  	v63 =	vadd.f32 s30, v1;
	s0 =	sor.u32 s0, s1;
	[tilespmem:s29+$0x480] =	vst @p1 v6  }
0x12e: {  	v6 =	vld [tilespmem:s0+$0x480]  }
0x12f: {  	v5 =	vsub.f32 v63, v5;
	_ =	sdelay $0x1  }
0x130: {  	v5 =	vmul.f32 v5, v5;
	_ =	sdelay $0x1  }
0x131: {  	vm15 =	vle.f32 v5, v3;
	v3 =	vmin.f32 v6, v4  }
0x132: {  	v3 =	vsel vm15, v3, v6  }
0x133: {  	[tilespmem:s0+$0x480] =	vst v3  }
.LBB2_15:
0x134: {  	s29 =	ssub.f32 s23, s6;
	_ =	sdelay $0x1  }
0x135: {  	p1 =	sge.f32 s29, $0.0e+00;
	_ =	sdelay $0x1  }
0x136: {  	p2 =	sgt.s32 @p1 s24, s25  }
0x137: {  	p1 =	por !p1, p2  }
.Ltmp15:
0x138: {  	_ = 	snop;
	(pc) =	sbr.rel @p1 .LBB2_21-.Ltmp15, $1  }
0x139: {  	_ =	sdelay $0x3  }
0x13a: {  	s0 =	ssub.s32 s25, s24  }
0x13b: {  	s0 =	sadd.s32 $0x1, s0  }
0x13c: {  	p2 =	sne.s32 s0, $0x1  }
.Ltmp16:
0x13d: {  	_ = 	snop;
	(pc) =	sbr.rel @!p2 .LBB2_17-.Ltmp16, $3  }
0x13e: {  	_ =	sdelay $0x1  }
0x13f: {  	s26 =	sshll.u32 s24, $0x7;
	s28 =	sshll.u32 s24, $0x4  }
0x140: {  	v5 =	vbroadcast v2, $0x0;
	v3 =	vmov s29;
	v4 =	vbroadcast v2, $0x3;
	p1 =	por $0x0, $0x0;
	s30 =	scvt.s32.f32 s28;
	s31 =	sadd.s32 $0xFFFFFFFF, s0  }
0x141: {  	s0 =	sand.u32 $0x70, s28;
	s1 =	sand.u32 $0xFFFFFC00, s26  }
0x142: {  	v7 =	vadd.f32 s30, v1;
	s29 =	sor.u32 s0, s1  }
0x143: {  	p2 =	sne.s32 s31, $0x1;
	v6 =	vld [tilespmem:s29+$0x500]  }
.Ltmp17:
0x144: {  	v7 =	vsub.f32 v7, v5;
	(pc) =	sbr.rel @!p2 .LBB2_20-.Ltmp17, $4  }
0x145: {  	_ = 	snop  }
0x146: {  	v7 =	vmul.f32 v7, v7  }
0x147: {  	s28 =	sadd.s32 $0x10, s28;
	s31 =	sadd.s32 $0xFFFFFFFF, s31  }
0x148: {  	s26 =	sadd.s32 $0x80, s26;
	p1 =	por $0x1, $0x1;
	s30 =	scvt.s32.f32 s28;
	vm0 =	vle.f32 v7, v3;
	v7 =	vmin.f32 v6, v4  }
.LBB2_19:
0x149: {  	p2 =	sne.s32 s31, $0x1;
	s0 =	sand.u32 $0x70, s28;
	s1 =	sand.u32 $0xFFFFFC00, s26;
	v6 =	vsel vm0, v7, v6  }
0x14a: {  	v7 =	vadd.f32 s30, v1;
	[tilespmem:s29+$0x500] =	vst v6;
	s29 =	sor.u32 s0, s1  }
0x14b: {  	v6 =	vld [tilespmem:s29+$0x500]  }
.Ltmp18:
0x14c: {  	v7 =	vsub.f32 v7, v5;
	(pc) =	sbr.rel @p2 .LBB2_19-.Ltmp18, $4  }
0x14d: {  	_ = 	snop  }
0x14e: {  	v7 =	vmul.f32 v7, v7  }
0x14f: {  	s28 =	sadd.s32 $0x10, s28  }
0x150: {  	s31 =	sadd.s32 $0xFFFFFFFF, s31;
	s26 =	sadd.s32 $0x80, s26;
	s30 =	scvt.s32.f32 s28;
	vm0 =	vle.f32 v7, v3;
	v7 =	vmin.f32 v6, v4  }
.LBB2_20:
0x151: {  	s0 =	sand.u32 $0x70, s28;
	s1 =	sand.u32 $0xFFFFFC00, s26;
	v6 =	vsel @p1 vm0, v7, v6  }
0x152: {  	v63 =	vadd.f32 s30, v1;
	s0 =	sor.u32 s0, s1;
	[tilespmem:s29+$0x500] =	vst @p1 v6  }
0x153: {  	v6 =	vld [tilespmem:s0+$0x500]  }
0x154: {  	v5 =	vsub.f32 v63, v5;
	_ =	sdelay $0x1  }
0x155: {  	v5 =	vmul.f32 v5, v5;
	_ =	sdelay $0x1  }
0x156: {  	vm15 =	vle.f32 v5, v3;
	v3 =	vmin.f32 v6, v4  }
0x157: {  	v3 =	vsel vm15, v3, v6  }
0x158: {  	[tilespmem:s0+$0x500] =	vst v3  }
.LBB2_21:
0x159: {  	s26 =	ssub.f32 s23, s7;
	_ =	sdelay $0x1  }
0x15a: {  	p1 =	sge.f32 s26, $0.0e+00;
	_ =	sdelay $0x1  }
0x15b: {  	p2 =	sgt.s32 @p1 s24, s25  }
0x15c: {  	p1 =	por !p1, p2  }
.Ltmp19:
0x15d: {  	_ = 	snop;
	(pc) =	sbr.rel @p1 .LBB2_27-.Ltmp19, $1  }
0x15e: {  	_ =	sdelay $0x3  }
0x15f: {  	s0 =	ssub.s32 s25, s24  }
0x160: {  	s0 =	sadd.s32 $0x1, s0  }
0x161: {  	p2 =	sne.s32 s0, $0x1  }
.Ltmp20:
0x162: {  	_ = 	snop;
	(pc) =	sbr.rel @!p2 .LBB2_23-.Ltmp20, $3  }
0x163: {  	_ =	sdelay $0x1  }
0x164: {  	s23 =	sshll.u32 s24, $0x7;
	s24 =	sshll.u32 s24, $0x4  }
0x165: {  	v4 =	vbroadcast v2, $0x0;
	v3 =	vmov s26;
	v2 =	vbroadcast v2, $0x3;
	p1 =	por $0x0, $0x0;
	s26 =	scvt.s32.f32 s24;
	s28 =	sadd.s32 $0xFFFFFFFF, s0  }
0x166: {  	s0 =	sand.u32 $0x70, s24;
	s1 =	sand.u32 $0xFFFFFC00, s23  }
0x167: {  	v6 =	vadd.f32 s26, v1;
	s25 =	sor.u32 s0, s1  }
0x168: {  	p2 =	sne.s32 s28, $0x1;
	v5 =	vld [tilespmem:s25+$0x580]  }
.Ltmp21:
0x169: {  	v6 =	vsub.f32 v6, v4;
	(pc) =	sbr.rel @!p2 .LBB2_26-.Ltmp21, $4  }
0x16a: {  	_ = 	snop  }
0x16b: {  	v6 =	vmul.f32 v6, v6  }
0x16c: {  	s24 =	sadd.s32 $0x10, s24;
	s28 =	sadd.s32 $0xFFFFFFFF, s28  }
0x16d: {  	s23 =	sadd.s32 $0x80, s23;
	p1 =	por $0x1, $0x1;
	s26 =	scvt.s32.f32 s24;
	vm0 =	vle.f32 v6, v3;
	v6 =	vmin.f32 v5, v2  }
.LBB2_25:
0x16e: {  	p2 =	sne.s32 s28, $0x1;
	s0 =	sand.u32 $0x70, s24;
	s1 =	sand.u32 $0xFFFFFC00, s23;
	v5 =	vsel vm0, v6, v5  }
0x16f: {  	v6 =	vadd.f32 s26, v1;
	[tilespmem:s25+$0x580] =	vst v5;
	s25 =	sor.u32 s0, s1  }
0x170: {  	v5 =	vld [tilespmem:s25+$0x580]  }
.Ltmp22:
0x171: {  	v6 =	vsub.f32 v6, v4;
	(pc) =	sbr.rel @p2 .LBB2_25-.Ltmp22, $4  }
0x172: {  	_ = 	snop  }
0x173: {  	v6 =	vmul.f32 v6, v6  }
0x174: {  	s24 =	sadd.s32 $0x10, s24  }
0x175: {  	s28 =	sadd.s32 $0xFFFFFFFF, s28;
	s23 =	sadd.s32 $0x80, s23;
	s26 =	scvt.s32.f32 s24;
	vm0 =	vle.f32 v6, v3;
	v6 =	vmin.f32 v5, v2  }
.Ltmp23:
0x176: {  	_ = 	snop;
	(pc) =	sbr.rel .LBB2_26-.Ltmp23, $1  }
0x177: {  	_ =	sdelay $0x3  }
.LBB2_5:
.Ltmp24:
0x178: {  	(pc) =	sbr.rel .LBB2_8-.Ltmp24, $2  }
0x179: {  	_ =	sdelay $0x2  }
0x17a: {  	_ = 	snop  }
.LBB2_11:
.Ltmp25:
0x17b: {  	(pc) =	sbr.rel .LBB2_14-.Ltmp25, $2  }
0x17c: {  	_ =	sdelay $0x2  }
0x17d: {  	_ = 	snop  }
.LBB2_17:
.Ltmp26:
0x17e: {  	(pc) =	sbr.rel .LBB2_20-.Ltmp26, $2  }
0x17f: {  	_ =	sdelay $0x2  }
0x180: {  	_ = 	snop  }
.LBB2_32:
0x181: {  	_ = 	snop  }
.LBB2_35:
0x182: {  	s0 =	sand.u32 $0x70, s24;
	s1 =	sand.u32 $0xFFFFFC00, s23;
	v5 =	vsel @p1 vm0, v6, v5  }
0x183: {  	v63 =	vadd.f32 s26, v1;
	s0 =	sor.u32 s0, s1;
	[tilespmem:s25+$0x600] =	vst @p1 v5  }
0x184: {  	v5 =	vld [tilespmem:s0+$0x600]  }
0x185: {  	v4 =	vsub.f32 v63, v4;
	_ =	sdelay $0x1  }
0x186: {  	v4 =	vmul.f32 v4, v4;
	_ =	sdelay $0x1  }
0x187: {  	vm15 =	vle.f32 v4, v2;
	v2 =	vmin.f32 v5, v3  }
0x188: {  	v2 =	vsel vm15, v2, v5  }
0x189: {  	[tilespmem:s0+$0x600] =	vst v2  }
.LBB2_36:
0x18a: {  	s22 =	sadd.s32 $0x1, s22  }
0x18b: {  	p1 =	sne.s32 s22, $0x9F  }
.Ltmp27:
0x18c: {  	_ = 	snop;
	(pc) =	sbr.rel @!p1 .LBB2_37-.Ltmp27, $1  }
0x18d: {  	_ =	sdelay $0x3  }
.LBB2_30:
0x18e: {  	s0 =	sshll.u32 s22, $0x2  }
0x18f: {  	s0 =	sand.u32 $0x3FFFFFFC, s0  }
0x190: {  	v3 =	vld [tilespmem:s0+$0x0];
	_ =	sdelay $0x4  }
0x191: {  	(v2sf) =	vpush v3, $0x2;
	_ =	sdelay $0xe  }
0x192: {  	s0 =	spop (v2sf)  }
0x193: {  	p1 =	sge.f32 s0, $4.096000000e+03;
	_ =	sdelay $0x1  }
0x194: {  	s25 =	sadd.f32 @p1 $-4.096000000e+03, s0;
	_ =	sdelay $0x1  }
0x195: {  	p2 =	sge.f32 @p1 s25, $0.0e+00;
	_ =	sdelay $0x1  }
0x196: {  	p1 =	por !p1, !p2  }
0x197: {  	(v2sf) =	vpush @!p1 v3, $0x0  }
0x198: {  	(v2sf) =	vpush @!p1 v3, $0x1;
	_ =	sdelay $0xd  }
0x199: {  	s0 =	spop @!p1 (v2sf)  }
0x19a: {  	s1 =	spop @!p1 (v2sf)  }
0x19b: {  	s23 =	sadd.f32 @!p1 s1, s0  }
0x19c: {  	s0 =	ssub.f32 @!p1 s0, s1;
	_ =	sdelay $0x1  }
0x19d: {  	s1 =	smin.f32 @!p1 s23, $2.550000000e+02;
	s0 =	smax.f32 @!p1 s0, $0.0e+00  }
0x19e: {  	s1 =	scvt.f32.s32 @!p1 s1;
	s0 =	scvt.f32.s32 @!p1 s0  }
0x19f: {  	_ = 	snop  }
0x1a0: {  	s23 =	sshra.s32 @!p1 s1, $0x4;
	s24 =	sshra.s32 @!p1 s0, $0x4  }
0x1a1: {  	p2 =	sgt.s32 @!p1 s24, s23  }
0x1a2: {  	p1 =	por p1, p2  }
.Ltmp28:
0x1a3: {  	_ = 	snop;
	(pc) =	sbr.rel @p1 .LBB2_36-.Ltmp28, $1  }
0x1a4: {  	_ =	sdelay $0x3  }
0x1a5: {  	s0 =	ssub.s32 s23, s24  }
0x1a6: {  	s0 =	sadd.s32 $0x1, s0  }
0x1a7: {  	p2 =	sne.s32 s0, $0x1  }
.Ltmp29:
0x1a8: {  	_ = 	snop;
	(pc) =	sbr.rel @!p2 .LBB2_32-.Ltmp29, $3  }
0x1a9: {  	_ =	sdelay $0x1  }
0x1aa: {  	s23 =	sshll.u32 s24, $0x7;
	s24 =	sshll.u32 s24, $0x4  }
0x1ab: {  	v4 =	vbroadcast v3, $0x0;
	v2 =	vmov s25;
	v3 =	vbroadcast v3, $0x3;
	p1 =	por $0x0, $0x0;
	s26 =	scvt.s32.f32 s24;
	s28 =	sadd.s32 $0xFFFFFFFF, s0  }
0x1ac: {  	s0 =	sand.u32 $0x70, s24;
	s1 =	sand.u32 $0xFFFFFC00, s23  }
0x1ad: {  	v6 =	vadd.f32 s26, v1;
	s25 =	sor.u32 s0, s1  }
0x1ae: {  	p2 =	sne.s32 s28, $0x1;
	v5 =	vld [tilespmem:s25+$0x600]  }
.Ltmp30:
0x1af: {  	v6 =	vsub.f32 v6, v4;
	(pc) =	sbr.rel @!p2 .LBB2_35-.Ltmp30, $4  }
0x1b0: {  	_ = 	snop  }
0x1b1: {  	v6 =	vmul.f32 v6, v6  }
0x1b2: {  	s24 =	sadd.s32 $0x10, s24;
	s28 =	sadd.s32 $0xFFFFFFFF, s28  }
0x1b3: {  	s23 =	sadd.s32 $0x80, s23;
	p1 =	por $0x1, $0x1;
	s26 =	scvt.s32.f32 s24;
	vm0 =	vle.f32 v6, v2;
	v6 =	vmin.f32 v5, v3  }
.LBB2_34:
0x1b4: {  	p2 =	sne.s32 s28, $0x1;
	s0 =	sand.u32 $0x70, s24;
	s1 =	sand.u32 $0xFFFFFC00, s23;
	v5 =	vsel vm0, v6, v5  }
0x1b5: {  	v6 =	vadd.f32 s26, v1;
	[tilespmem:s25+$0x600] =	vst v5;
	s25 =	sor.u32 s0, s1  }
0x1b6: {  	v5 =	vld [tilespmem:s25+$0x600]  }
.Ltmp31:
0x1b7: {  	v6 =	vsub.f32 v6, v4;
	(pc) =	sbr.rel @p2 .LBB2_34-.Ltmp31, $4  }
0x1b8: {  	_ = 	snop  }
0x1b9: {  	v6 =	vmul.f32 v6, v6  }
0x1ba: {  	s24 =	sadd.s32 $0x10, s24  }
0x1bb: {  	s28 =	sadd.s32 $0xFFFFFFFF, s28;
	s23 =	sadd.s32 $0x80, s23;
	s26 =	scvt.s32.f32 s24;
	vm0 =	vle.f32 v6, v2;
	v6 =	vmin.f32 v5, v3  }
.Ltmp32:
0x1bc: {  	_ = 	snop;
	(pc) =	sbr.rel .LBB2_35-.Ltmp32, $1  }
0x1bd: {  	_ =	sdelay $0x3  }
.LBB2_38:
0x1be: {  	_ =	sfence.sel $0x180000  }
0x1bf: {  	[bflag:$0x0] =	sbarrier.arrive $0xFFFF  }
0x1c0: {  	_ =	strace $0x90000047  }
0x1c1: {  	s0 =	stileid.u32;
	[bflag:$0x2] =	sbarrier.arrive $0xFFFF  }
0x1c2: {  	p0 =	sne.s32 s0, $0x0;
	s0 =	rddreg [dreg:$0x2]  }
0x1c3: {  	s0 =	sadd.s32 @!p0 $0x100000, s0  }
0x1c4: {  	[sflag:s0] =	ssyncadd.tile.s32 @!p0 $0x1;
	_ =	shalt  }
.Lfunc_end2:
_tile_overlayer_lowered:
.L_overlay_start_2:
0x1c5: {  	(tag) =	ssettag $0x2  }
0x1c6: {  	s0 =	rddreg [dreg:$0x0];
	s2 =	stileid.u32  }
0x1c7: {  	s1 =	rddreg [dreg:$0x1];
	p0 =	sne.s32 s2, $0x0  }
0x1c8: {  	s3 =	rddreg [dreg:$0x2];
	[bflag:$0x3] =	sbarrier.arrive $0xFFFF;
	s2 =	simm.s32 @!p0 $0x1C01  }
0x1c9: {  	[timem:s3], [sflag:s2] =	dma.local @!p0 [hbm:s0], s1  }
0x1ca: {  	s0 =	simm.s32 @!p0 $0x1  }
0x1cb: {  	_ =	swait.ge @!p0 [sflag:s0], s1  }
0x1cc: {  	s1 =	ssub.s32 @!p0 $0x0, s1;
	[sflag:s0] =	ssyncset.done @!p0 $0x0  }
0x1cd: {  	[sflag:s0] =	ssyncadd.s32 @!p0 s1  }
0x1ce: {  	[bflag:$0x3] =	sbarrier.arrive $0xFFFF  }
0x1cf: {  	_ =	shalt  }

</sc_bundles>
